<compile_context>
chip_gen: v7x
topology: tpu7x:2x2x1
jax: 0.10.2.dev20260603
libtpu: 0.0.44.dev20260713+nightly
codegen_flags: <defaults>
</compile_context>

<pallas_src>
import functools

import jax
import jax.numpy as jnp
from jax import lax
from jax.experimental import pallas as pl
from jax.experimental.pallas import tpu as pltpu
from jax.experimental.pallas import tpu_sc as plsc

_LENGTH = 8192
_EMBED = 1024
_BATCH = 4
_SEQ = 8192
_NTOT = _BATCH * _SEQ

_NC = 2
_NS = 16
_NW = _NC * _NS
_B_PER_W = _NTOT // _NW
_CH = 32
_NCHUNK = _B_PER_W // _CH

_mesh = plsc.VectorSubcoreMesh(core_axis_name="c", subcore_axis_name="s")


@functools.partial(
    pl.kernel,
    mesh=_mesh,
    out_type=jax.ShapeDtypeStruct((_NTOT, _EMBED), jnp.float32),
    scratch_types=[
        pltpu.VMEM((_B_PER_W,), jnp.int32),
        pltpu.VMEM((3, _CH, _EMBED), jnp.float32),
        pltpu.SemaphoreType.DMA((3,)),
        pltpu.SemaphoreType.DMA((3,)),
    ],
)
def _sc_gather(pe_hbm, idx_hbm, out_hbm, idx_v, rows_v, gsem, ssem):
    wid = lax.axis_index("s") * _NC + lax.axis_index("c")
    base = wid * _B_PER_W
    pltpu.sync_copy(idx_hbm.at[pl.ds(base, _B_PER_W)], idx_v)

    def gather_start(c, b):
        pltpu.make_async_copy(
            pe_hbm.at[idx_v.at[pl.ds(c * _CH, _CH)]], rows_v.at[b], gsem.at[b]
        ).start()

    def gather_wait(b):
        pltpu.make_async_copy(
            pe_hbm.at[pl.ds(0, _CH)], rows_v.at[b], gsem.at[b]
        ).wait()

    def store_start(c, b):
        pltpu.make_async_copy(
            rows_v.at[b], out_hbm.at[pl.ds(base + c * _CH, _CH)], ssem.at[b]
        ).start()

    def store_wait(b):
        pltpu.make_async_copy(
            rows_v.at[b], out_hbm.at[pl.ds(base, _CH)], ssem.at[b]
        ).wait()

    gather_start(0, 0)
    gather_start(1, 1)
    gather_wait(0)
    store_start(0, 0)
    gather_start(2, 2)
    gather_wait(1)
    store_start(1, 1)

    def body(j, _):
        b = lax.rem(j, 3)
        nb = lax.rem(j + 1, 3)
        store_wait(nb)
        gather_start(j + 1, nb)
        gather_wait(b)
        store_start(j, b)
        return 0

    lax.fori_loop(2, _NCHUNK - 1, body, 0)

    bl = (_NCHUNK - 1) % 3
    gather_wait(bl)
    store_start(_NCHUNK - 1, bl)
    store_wait(0)
    store_wait(1)
    store_wait(2)


def kernel(positions, pe):
    idx = positions.reshape(-1).astype(jnp.int32)
    out = _sc_gather(pe, idx)
    return out.reshape(_BATCH, _SEQ, _EMBED)

# --- scband reference (transcript-rebuilt; emitter-appended) ---
"""Pipeline reference for scband-sinusoidal-positional-encoding-62577673502751 (READ-ONLY COPY).

The authoritative reference and input builder live on the scoring server;
editing this copy changes nothing except your own understanding.
"""

import math
import jax, jax.numpy as jnp
import numpy as np

LENGTH = 8192
EMBED_DIM = 1024
BATCH = 4
SEQ = 8192


def _build_pe(length: int, embedding_dim: int) -> jnp.ndarray:
    position = jnp.arange(0, length, dtype=jnp.float32)[:, None]
    div_term = jnp.exp(jnp.arange(0, embedding_dim, 2, dtype=jnp.float32) * (-math.log(10000.0) / embedding_dim))
    pe = jnp.zeros((length, embedding_dim), dtype=jnp.float32)
    pe = pe.at[:, 0::2].set(jnp.sin(position * div_term))
    pe = pe.at[:, 1::2].set(jnp.cos(position * div_term))
    return pe


def setup_inputs(seed: int = 0) -> dict:
    key = jax.random.key(seed)
    positions = jax.random.randint(key, (BATCH, SEQ), 0, LENGTH, dtype=jnp.int64 if jax.config.jax_enable_x64 else jnp.int32)
    pe = _build_pe(LENGTH, EMBED_DIM)
    return {"positions": positions, "pe": pe}


def reference(positions, pe):
    # SinusoidalPositionalEncoding.forward: gather rows of the pe buffer
    return jnp.take(pe, positions, axis=0)

if __name__ == "__main__":
    import jax
    _d = setup_inputs()
    print(jax.jit(kernel)(*tuple(_d.values())))

</pallas_src>

<mosaic_0001>
#map = affine_map<(d0, d1) -> (0, 0)>
#map1 = affine_map<(d0, d1) -> (0)>
module attributes {stable_mosaic.version = 14 : i64} {
  func.func @_sc_gather(%arg0: i32, %arg1: i32, %arg2: memref<8192x1024xf32, #tpu.memory_space<hbm>>, %arg3: memref<32768xi32, #tpu.memory_space<hbm>>, %arg4: memref<32768x1024xf32, #tpu.memory_space<hbm>>, %arg5: memref<1024xi32, #tpu.memory_space<vmem>>, %arg6: memref<3x32x1024xf32, #tpu.memory_space<vmem>>, %arg7: memref<3x!tpu.dma_semaphore, #tpu.memory_space<semaphore_mem>>, %arg8: memref<3x!tpu.dma_semaphore, #tpu.memory_space<semaphore_mem>>) attributes {dimension_semantics = [#tpu.dimension_semantics<core_parallel>, #tpu.dimension_semantics<subcore_parallel>], iteration_bounds = array<i64: 2, 16>, scalar_prefetch = 0 : i64, scratch_operands = 4 : i64, tpu.core_type = #tpu.core_type<sc_vector_subcore>, window_params = [{transform_indices = #map}, {transform_indices = #map1}, {transform_indices = #map}]} {
    %mul3A = arith.constant 2 : i32
    %mul3A_0 = arith.muli %arg1, %mul3A : i32
    %add3A = arith.addi %mul3A_0, %arg0 : i32
    %mul3A_1 = arith.constant 1024 : i32
    %mul3A_2 = arith.muli %add3A, %mul3A_1 : i32
    "tpu.region"() ({
      %run_scoped3A = tpu.sem_alloc : memref<!tpu.dma_semaphore, #tpu.memory_space<semaphore_mem>>
      %dma_start3A_202 = tpu.memref_slice %arg3[%mul3A_2] : memref<32768xi32, #tpu.memory_space<hbm>> -> memref<1024xi32, #tpu.memory_space<hbm>>
      %dma_start3A_203 = tpu.memref_slice %arg3[%mul3A_2] : memref<32768xi32, #tpu.memory_space<hbm>> -> memref<1024xi32, #tpu.memory_space<hbm>>
      tpu.enqueue_dma source(%dma_start3A_203 : memref<1024xi32, #tpu.memory_space<hbm>>) target(%arg5 : memref<1024xi32, #tpu.memory_space<vmem>>) target_semaphore(%run_scoped3A : memref<!tpu.dma_semaphore, #tpu.memory_space<semaphore_mem>>)
      %dma_wait3A_204 = tpu.memref_slice %arg3[%mul3A_2] : memref<32768xi32, #tpu.memory_space<hbm>> -> memref<1024xi32, #tpu.memory_space<hbm>>
      %dma_wait3A_205 = tpu.memref_slice %arg3[%mul3A_2] : memref<32768xi32, #tpu.memory_space<hbm>> -> memref<1024xi32, #tpu.memory_space<hbm>>
      tpu.wait_dma2 semaphore(%run_scoped3A : memref<!tpu.dma_semaphore, #tpu.memory_space<semaphore_mem>>) src(%dma_wait3A_205 : memref<1024xi32, #tpu.memory_space<hbm>>) dst(%arg5 : memref<1024xi32, #tpu.memory_space<vmem>>)
      tpu.yield
    }) : () -> ()
    %dma_start3A = arith.constant 0 : i32
    %dma_start3A_3 = arith.constant 0 : i32
    %dma_start3A_4 = arith.constant 0 : i32
    %dma_start3A_5 = arith.constant 0 : i32
    %dma_start3A_6 = tpu.memref_slice %arg6[%dma_start3A, %dma_start3A_4, %dma_start3A_5] : memref<3x32x1024xf32, #tpu.memory_space<vmem>> -> memref<1x32x1024xf32, #tpu.memory_space<vmem>>
    %dma_start3A_7 = tpu.memref_squeeze %dma_start3A_6 : memref<1x32x1024xf32, #tpu.memory_space<vmem>> -> memref<32x1024xf32, #tpu.memory_space<vmem>>
    %dma_start3A_8 = arith.constant 0 : i32
    %dma_start3A_9 = tpu.memref_slice %arg5[%dma_start3A_8] : memref<1024xi32, #tpu.memory_space<vmem>> -> memref<32xi32, #tpu.memory_space<vmem>>
    %dma_start3A_10 = arith.constant 0 : i32
    %dma_start3A_11 = arith.constant 0 : i32
    %dma_start3A_12 = tpu.memref_slice %arg2[%dma_start3A_10, %dma_start3A_11] : memref<8192x1024xf32, #tpu.memory_space<hbm>> -> memref<8192x1024xf32, #tpu.memory_space<hbm>>
    %dma_start3A_13 = tpu.memref_slice %arg7[%dma_start3A_3] : memref<3x!tpu.dma_semaphore, #tpu.memory_space<semaphore_mem>> -> memref<1x!tpu.dma_semaphore, #tpu.memory_space<semaphore_mem>>
    %dma_start3A_14 = tpu.memref_squeeze %dma_start3A_13 : memref<1x!tpu.dma_semaphore, #tpu.memory_space<semaphore_mem>> -> memref<!tpu.dma_semaphore, #tpu.memory_space<semaphore_mem>>
    tpu.enqueue_indirect_dma source(%dma_start3A_12 : memref<8192x1024xf32, #tpu.memory_space<hbm>>) target(%dma_start3A_7 : memref<32x1024xf32, #tpu.memory_space<vmem>>) offsets(%dma_start3A_9 : memref<32xi32, #tpu.memory_space<vmem>>) semaphore(%dma_start3A_14 : memref<!tpu.dma_semaphore, #tpu.memory_space<semaphore_mem>>)
    %dma_start3A_15 = arith.constant 1 : i32
    %dma_start3A_16 = arith.constant 1 : i32
    %dma_start3A_17 = arith.constant 0 : i32
    %dma_start3A_18 = arith.constant 0 : i32
    %dma_start3A_19 = tpu.memref_slice %arg6[%dma_start3A_15, %dma_start3A_17, %dma_start3A_18] : memref<3x32x1024xf32, #tpu.memory_space<vmem>> -> memref<1x32x1024xf32, #tpu.memory_space<vmem>>
    %dma_start3A_20 = tpu.memref_squeeze %dma_start3A_19 : memref<1x32x1024xf32, #tpu.memory_space<vmem>> -> memref<32x1024xf32, #tpu.memory_space<vmem>>
    %dma_start3A_21 = arith.constant 32 : i32
    %dma_start3A_22 = tpu.memref_slice %arg5[%dma_start3A_21] : memref<1024xi32, #tpu.memory_space<vmem>> -> memref<32xi32, #tpu.memory_space<vmem>>
    %dma_start3A_23 = arith.constant 0 : i32
    %dma_start3A_24 = arith.constant 0 : i32
    %dma_start3A_25 = tpu.memref_slice %arg2[%dma_start3A_23, %dma_start3A_24] : memref<8192x1024xf32, #tpu.memory_space<hbm>> -> memref<8192x1024xf32, #tpu.memory_space<hbm>>
    %dma_start3A_26 = tpu.memref_slice %arg7[%dma_start3A_16] : memref<3x!tpu.dma_semaphore, #tpu.memory_space<semaphore_mem>> -> memref<1x!tpu.dma_semaphore, #tpu.memory_space<semaphore_mem>>
    %dma_start3A_27 = tpu.memref_squeeze %dma_start3A_26 : memref<1x!tpu.dma_semaphore, #tpu.memory_space<semaphore_mem>> -> memref<!tpu.dma_semaphore, #tpu.memory_space<semaphore_mem>>
    tpu.enqueue_indirect_dma source(%dma_start3A_25 : memref<8192x1024xf32, #tpu.memory_space<hbm>>) target(%dma_start3A_20 : memref<32x1024xf32, #tpu.memory_space<vmem>>) offsets(%dma_start3A_22 : memref<32xi32, #tpu.memory_space<vmem>>) semaphore(%dma_start3A_27 : memref<!tpu.dma_semaphore, #tpu.memory_space<semaphore_mem>>)
    %dma_wait3A = arith.constant 0 : i32
    %dma_wait3A_28 = arith.constant 0 : i32
    %dma_wait3A_29 = arith.constant 0 : i32
    %dma_wait3A_30 = arith.constant 0 : i32
    %dma_wait3A_31 = tpu.memref_slice %arg6[%dma_wait3A, %dma_wait3A_29, %dma_wait3A_30] : memref<3x32x1024xf32, #tpu.memory_space<vmem>> -> memref<1x32x1024xf32, #tpu.memory_space<vmem>>
    %dma_wait3A_32 = tpu.memref_squeeze %dma_wait3A_31 : memref<1x32x1024xf32, #tpu.memory_space<vmem>> -> memref<32x1024xf32, #tpu.memory_space<vmem>>
    %dma_wait3A_33 = arith.constant 0 : i32
    %dma_wait3A_34 = arith.constant 0 : i32
    %dma_wait3A_35 = tpu.memref_slice %arg2[%dma_wait3A_33, %dma_wait3A_34] : memref<8192x1024xf32, #tpu.memory_space<hbm>> -> memref<32x1024xf32, #tpu.memory_space<hbm>>
    %dma_wait3A_36 = tpu.memref_slice %arg7[%dma_wait3A_28] : memref<3x!tpu.dma_semaphore, #tpu.memory_space<semaphore_mem>> -> memref<1x!tpu.dma_semaphore, #tpu.memory_space<semaphore_mem>>
    %dma_wait3A_37 = tpu.memref_squeeze %dma_wait3A_36 : memref<1x!tpu.dma_semaphore, #tpu.memory_space<semaphore_mem>> -> memref<!tpu.dma_semaphore, #tpu.memory_space<semaphore_mem>>
    %dma_wait3A_38 = arith.constant 0 : i32
    %dma_wait3A_39 = arith.constant 0 : i32
    %dma_wait3A_40 = tpu.memref_slice %arg6[%dma_wait3A, %dma_wait3A_38, %dma_wait3A_39] : memref<3x32x1024xf32, #tpu.memory_space<vmem>> -> memref<1x32x1024xf32, #tpu.memory_space<vmem>>
    %dma_wait3A_41 = tpu.memref_squeeze %dma_wait3A_40 : memref<1x32x1024xf32, #tpu.memory_space<vmem>> -> memref<32x1024xf32, #tpu.memory_space<vmem>>
    %dma_wait3A_42 = arith.constant 0 : i32
    %dma_wait3A_43 = arith.constant 0 : i32
    %dma_wait3A_44 = tpu.memref_slice %arg2[%dma_wait3A_42, %dma_wait3A_43] : memref<8192x1024xf32, #tpu.memory_space<hbm>> -> memref<32x1024xf32, #tpu.memory_space<hbm>>
    tpu.wait_dma2 semaphore(%dma_wait3A_37 : memref<!tpu.dma_semaphore, #tpu.memory_space<semaphore_mem>>) src(%dma_wait3A_44 : memref<32x1024xf32, #tpu.memory_space<hbm>>) dst(%dma_wait3A_41 : memref<32x1024xf32, #tpu.memory_space<vmem>>)
    %add3A_45 = arith.constant 0 : i32
    %add3A_46 = arith.addi %mul3A_2, %add3A_45 : i32
    %dma_start3A_47 = arith.constant 0 : i32
    %dma_start3A_48 = arith.constant 0 : i32
    %dma_start3A_49 = arith.constant 0 : i32
    %dma_start3A_50 = arith.constant 0 : i32
    %dma_start3A_51 = tpu.memref_slice %arg6[%dma_start3A_47, %dma_start3A_49, %dma_start3A_50] : memref<3x32x1024xf32, #tpu.memory_space<vmem>> -> memref<1x32x1024xf32, #tpu.memory_space<vmem>>
    %dma_start3A_52 = tpu.memref_squeeze %dma_start3A_51 : memref<1x32x1024xf32, #tpu.memory_space<vmem>> -> memref<32x1024xf32, #tpu.memory_space<vmem>>
    %dma_start3A_53 = arith.constant 0 : i32
    %dma_start3A_54 = tpu.memref_slice %arg4[%add3A_46, %dma_start3A_53] : memref<32768x1024xf32, #tpu.memory_space<hbm>> -> memref<32x1024xf32, #tpu.memory_space<hbm>>
    %dma_start3A_55 = tpu.memref_slice %arg8[%dma_start3A_48] : memref<3x!tpu.dma_semaphore, #tpu.memory_space<semaphore_mem>> -> memref<1x!tpu.dma_semaphore, #tpu.memory_space<semaphore_mem>>
    %dma_start3A_56 = tpu.memref_squeeze %dma_start3A_55 : memref<1x!tpu.dma_semaphore, #tpu.memory_space<semaphore_mem>> -> memref<!tpu.dma_semaphore, #tpu.memory_space<semaphore_mem>>
    %dma_start3A_57 = arith.constant 0 : i32
    %dma_start3A_58 = tpu.memref_slice %arg4[%add3A_46, %dma_start3A_57] : memref<32768x1024xf32, #tpu.memory_space<hbm>> -> memref<32x1024xf32, #tpu.memory_space<hbm>>
    %dma_start3A_59 = arith.constant 0 : i32
    %dma_start3A_60 = arith.constant 0 : i32
    %dma_start3A_61 = tpu.memref_slice %arg6[%dma_start3A_47, %dma_start3A_59, %dma_start3A_60] : memref<3x32x1024xf32, #tpu.memory_space<vmem>> -> memref<1x32x1024xf32, #tpu.memory_space<vmem>>
    %dma_start3A_62 = tpu.memref_squeeze %dma_start3A_61 : memref<1x32x1024xf32, #tpu.memory_space<vmem>> -> memref<32x1024xf32, #tpu.memory_space<vmem>>
    tpu.enqueue_dma source(%dma_start3A_62 : memref<32x1024xf32, #tpu.memory_space<vmem>>) target(%dma_start3A_58 : memref<32x1024xf32, #tpu.memory_space<hbm>>) target_semaphore(%dma_start3A_56 : memref<!tpu.dma_semaphore, #tpu.memory_space<semaphore_mem>>)
    %dma_start3A_63 = arith.constant 2 : i32
    %dma_start3A_64 = arith.constant 2 : i32
    %dma_start3A_65 = arith.constant 0 : i32
    %dma_start3A_66 = arith.constant 0 : i32
    %dma_start3A_67 = tpu.memref_slice %arg6[%dma_start3A_63, %dma_start3A_65, %dma_start3A_66] : memref<3x32x1024xf32, #tpu.memory_space<vmem>> -> memref<1x32x1024xf32, #tpu.memory_space<vmem>>
    %dma_start3A_68 = tpu.memref_squeeze %dma_start3A_67 : memref<1x32x1024xf32, #tpu.memory_space<vmem>> -> memref<32x1024xf32, #tpu.memory_space<vmem>>
    %dma_start3A_69 = arith.constant 64 : i32
    %dma_start3A_70 = tpu.memref_slice %arg5[%dma_start3A_69] : memref<1024xi32, #tpu.memory_space<vmem>> -> memref<32xi32, #tpu.memory_space<vmem>>
    %dma_start3A_71 = arith.constant 0 : i32
    %dma_start3A_72 = arith.constant 0 : i32
    %dma_start3A_73 = tpu.memref_slice %arg2[%dma_start3A_71, %dma_start3A_72] : memref<8192x1024xf32, #tpu.memory_space<hbm>> -> memref<8192x1024xf32, #tpu.memory_space<hbm>>
    %dma_start3A_74 = tpu.memref_slice %arg7[%dma_start3A_64] : memref<3x!tpu.dma_semaphore, #tpu.memory_space<semaphore_mem>> -> memref<1x!tpu.dma_semaphore, #tpu.memory_space<semaphore_mem>>
    %dma_start3A_75 = tpu.memref_squeeze %dma_start3A_74 : memref<1x!tpu.dma_semaphore, #tpu.memory_space<semaphore_mem>> -> memref<!tpu.dma_semaphore, #tpu.memory_space<semaphore_mem>>
    tpu.enqueue_indirect_dma source(%dma_start3A_73 : memref<8192x1024xf32, #tpu.memory_space<hbm>>) target(%dma_start3A_68 : memref<32x1024xf32, #tpu.memory_space<vmem>>) offsets(%dma_start3A_70 : memref<32xi32, #tpu.memory_space<vmem>>) semaphore(%dma_start3A_75 : memref<!tpu.dma_semaphore, #tpu.memory_space<semaphore_mem>>)
    %dma_wait3A_76 = arith.constant 1 : i32
    %dma_wait3A_77 = arith.constant 1 : i32
    %dma_wait3A_78 = arith.constant 0 : i32
    %dma_wait3A_79 = arith.constant 0 : i32
    %dma_wait3A_80 = tpu.memref_slice %arg6[%dma_wait3A_76, %dma_wait3A_78, %dma_wait3A_79] : memref<3x32x1024xf32, #tpu.memory_space<vmem>> -> memref<1x32x1024xf32, #tpu.memory_space<vmem>>
    %dma_wait3A_81 = tpu.memref_squeeze %dma_wait3A_80 : memref<1x32x1024xf32, #tpu.memory_space<vmem>> -> memref<32x1024xf32, #tpu.memory_space<vmem>>
    %dma_wait3A_82 = arith.constant 0 : i32
    %dma_wait3A_83 = arith.constant 0 : i32
    %dma_wait3A_84 = tpu.memref_slice %arg2[%dma_wait3A_82, %dma_wait3A_83] : memref<8192x1024xf32, #tpu.memory_space<hbm>> -> memref<32x1024xf32, #tpu.memory_space<hbm>>
    %dma_wait3A_85 = tpu.memref_slice %arg7[%dma_wait3A_77] : memref<3x!tpu.dma_semaphore, #tpu.memory_space<semaphore_mem>> -> memref<1x!tpu.dma_semaphore, #tpu.memory_space<semaphore_mem>>
    %dma_wait3A_86 = tpu.memref_squeeze %dma_wait3A_85 : memref<1x!tpu.dma_semaphore, #tpu.memory_space<semaphore_mem>> -> memref<!tpu.dma_semaphore, #tpu.memory_space<semaphore_mem>>
    %dma_wait3A_87 = arith.constant 0 : i32
    %dma_wait3A_88 = arith.constant 0 : i32
    %dma_wait3A_89 = tpu.memref_slice %arg6[%dma_wait3A_76, %dma_wait3A_87, %dma_wait3A_88] : memref<3x32x1024xf32, #tpu.memory_space<vmem>> -> memref<1x32x1024xf32, #tpu.memory_space<vmem>>
    %dma_wait3A_90 = tpu.memref_squeeze %dma_wait3A_89 : memref<1x32x1024xf32, #tpu.memory_space<vmem>> -> memref<32x1024xf32, #tpu.memory_space<vmem>>
    %dma_wait3A_91 = arith.constant 0 : i32
    %dma_wait3A_92 = arith.constant 0 : i32
    %dma_wait3A_93 = tpu.memref_slice %arg2[%dma_wait3A_91, %dma_wait3A_92] : memref<8192x1024xf32, #tpu.memory_space<hbm>> -> memref<32x1024xf32, #tpu.memory_space<hbm>>
    tpu.wait_dma2 semaphore(%dma_wait3A_86 : memref<!tpu.dma_semaphore, #tpu.memory_space<semaphore_mem>>) src(%dma_wait3A_93 : memref<32x1024xf32, #tpu.memory_space<hbm>>) dst(%dma_wait3A_90 : memref<32x1024xf32, #tpu.memory_space<vmem>>)
    %add3A_94 = arith.constant 32 : i32
    %add3A_95 = arith.addi %mul3A_2, %add3A_94 : i32
    %dma_start3A_96 = arith.constant 1 : i32
    %dma_start3A_97 = arith.constant 1 : i32
    %dma_start3A_98 = arith.constant 0 : i32
    %dma_start3A_99 = arith.constant 0 : i32
    %dma_start3A_100 = tpu.memref_slice %arg6[%dma_start3A_96, %dma_start3A_98, %dma_start3A_99] : memref<3x32x1024xf32, #tpu.memory_space<vmem>> -> memref<1x32x1024xf32, #tpu.memory_space<vmem>>
    %dma_start3A_101 = tpu.memref_squeeze %dma_start3A_100 : memref<1x32x1024xf32, #tpu.memory_space<vmem>> -> memref<32x1024xf32, #tpu.memory_space<vmem>>
    %dma_start3A_102 = arith.constant 0 : i32
    %dma_start3A_103 = tpu.memref_slice %arg4[%add3A_95, %dma_start3A_102] : memref<32768x1024xf32, #tpu.memory_space<hbm>> -> memref<32x1024xf32, #tpu.memory_space<hbm>>
    %dma_start3A_104 = tpu.memref_slice %arg8[%dma_start3A_97] : memref<3x!tpu.dma_semaphore, #tpu.memory_space<semaphore_mem>> -> memref<1x!tpu.dma_semaphore, #tpu.memory_space<semaphore_mem>>
    %dma_start3A_105 = tpu.memref_squeeze %dma_start3A_104 : memref<1x!tpu.dma_semaphore, #tpu.memory_space<semaphore_mem>> -> memref<!tpu.dma_semaphore, #tpu.memory_space<semaphore_mem>>
    %dma_start3A_106 = arith.constant 0 : i32
    %dma_start3A_107 = tpu.memref_slice %arg4[%add3A_95, %dma_start3A_106] : memref<32768x1024xf32, #tpu.memory_space<hbm>> -> memref<32x1024xf32, #tpu.memory_space<hbm>>
    %dma_start3A_108 = arith.constant 0 : i32
    %dma_start3A_109 = arith.constant 0 : i32
    %dma_start3A_110 = tpu.memref_slice %arg6[%dma_start3A_96, %dma_start3A_108, %dma_start3A_109] : memref<3x32x1024xf32, #tpu.memory_space<vmem>> -> memref<1x32x1024xf32, #tpu.memory_space<vmem>>
    %dma_start3A_111 = tpu.memref_squeeze %dma_start3A_110 : memref<1x32x1024xf32, #tpu.memory_space<vmem>> -> memref<32x1024xf32, #tpu.memory_space<vmem>>
    tpu.enqueue_dma source(%dma_start3A_111 : memref<32x1024xf32, #tpu.memory_space<vmem>>) target(%dma_start3A_107 : memref<32x1024xf32, #tpu.memory_space<hbm>>) target_semaphore(%dma_start3A_105 : memref<!tpu.dma_semaphore, #tpu.memory_space<semaphore_mem>>)
    %scan3A = arith.constant 0 : i32
    %scan3A_112 = arith.constant 2 : i32
    %scan3A_113 = arith.constant 29 : i32
    %scan3A_114 = arith.addi %scan3A_112, %scan3A_113 : i32
    %scan3A_115 = arith.constant 1 : i32
    %scan3A_116 = scf.for %scan3A_202 = %scan3A_112 to %scan3A_114 step %scan3A_115 iter_args(%scan3A_203 = %scan3A) -> (i32)  : i32 {
      %rem3A = arith.constant 3 : i32
      %rem3A_204 = arith.remsi %scan3A_202, %rem3A : i32
      %add3A_205 = arith.constant 1 : i32
      %add3A_206 = arith.addi %scan3A_202, %add3A_205 : i32
      %rem3A_207 = arith.constant 3 : i32
      %rem3A_208 = arith.remsi %add3A_206, %rem3A_207 : i32
      %dma_wait3A_209 = arith.constant 0 : i32
      %dma_wait3A_210 = arith.constant 0 : i32
      %dma_wait3A_211 = tpu.memref_slice %arg6[%rem3A_208, %dma_wait3A_209, %dma_wait3A_210] : memref<3x32x1024xf32, #tpu.memory_space<vmem>> -> memref<1x32x1024xf32, #tpu.memory_space<vmem>>
      %dma_wait3A_212 = tpu.memref_squeeze %dma_wait3A_211 : memref<1x32x1024xf32, #tpu.memory_space<vmem>> -> memref<32x1024xf32, #tpu.memory_space<vmem>>
      %dma_wait3A_213 = arith.constant 0 : i32
      %dma_wait3A_214 = tpu.memref_slice %arg4[%mul3A_2, %dma_wait3A_213] : memref<32768x1024xf32, #tpu.memory_space<hbm>> -> memref<32x1024xf32, #tpu.memory_space<hbm>>
      %dma_wait3A_215 = tpu.memref_slice %arg8[%rem3A_208] : memref<3x!tpu.dma_semaphore, #tpu.memory_space<semaphore_mem>> -> memref<1x!tpu.dma_semaphore, #tpu.memory_space<semaphore_mem>>
      %dma_wait3A_216 = tpu.memref_squeeze %dma_wait3A_215 : memref<1x!tpu.dma_semaphore, #tpu.memory_space<semaphore_mem>> -> memref<!tpu.dma_semaphore, #tpu.memory_space<semaphore_mem>>
      %dma_wait3A_217 = arith.constant 0 : i32
      %dma_wait3A_218 = tpu.memref_slice %arg4[%mul3A_2, %dma_wait3A_217] : memref<32768x1024xf32, #tpu.memory_space<hbm>> -> memref<32x1024xf32, #tpu.memory_space<hbm>>
      %dma_wait3A_219 = arith.constant 0 : i32
      %dma_wait3A_220 = arith.constant 0 : i32
      %dma_wait3A_221 = tpu.memref_slice %arg6[%rem3A_208, %dma_wait3A_219, %dma_wait3A_220] : memref<3x32x1024xf32, #tpu.memory_space<vmem>> -> memref<1x32x1024xf32, #tpu.memory_space<vmem>>
      %dma_wait3A_222 = tpu.memref_squeeze %dma_wait3A_221 : memref<1x32x1024xf32, #tpu.memory_space<vmem>> -> memref<32x1024xf32, #tpu.memory_space<vmem>>
      tpu.wait_dma2 semaphore(%dma_wait3A_216 : memref<!tpu.dma_semaphore, #tpu.memory_space<semaphore_mem>>) src(%dma_wait3A_222 : memref<32x1024xf32, #tpu.memory_space<vmem>>) dst(%dma_wait3A_218 : memref<32x1024xf32, #tpu.memory_space<hbm>>)
      %add3A_223 = arith.constant 1 : i32
      %add3A_224 = arith.addi %scan3A_202, %add3A_223 : i32
      %mul3A_225 = arith.constant 32 : i32
      %mul3A_226 = arith.muli %add3A_224, %mul3A_225 : i32
      %dma_start3A_227 = arith.constant 0 : i32
      %dma_start3A_228 = arith.constant 0 : i32
      %dma_start3A_229 = tpu.memref_slice %arg6[%rem3A_208, %dma_start3A_227, %dma_start3A_228] : memref<3x32x1024xf32, #tpu.memory_space<vmem>> -> memref<1x32x1024xf32, #tpu.memory_space<vmem>>
      %dma_start3A_230 = tpu.memref_squeeze %dma_start3A_229 : memref<1x32x1024xf32, #tpu.memory_space<vmem>> -> memref<32x1024xf32, #tpu.memory_space<vmem>>
      %dma_start3A_231 = tpu.memref_slice %arg5[%mul3A_226] : memref<1024xi32, #tpu.memory_space<vmem>> -> memref<32xi32, #tpu.memory_space<vmem>>
      %dma_start3A_232 = arith.constant 0 : i32
      %dma_start3A_233 = arith.constant 0 : i32
      %dma_start3A_234 = tpu.memref_slice %arg2[%dma_start3A_232, %dma_start3A_233] : memref<8192x1024xf32, #tpu.memory_space<hbm>> -> memref<8192x1024xf32, #tpu.memory_space<hbm>>
      %dma_start3A_235 = tpu.memref_slice %arg7[%rem3A_208] : memref<3x!tpu.dma_semaphore, #tpu.memory_space<semaphore_mem>> -> memref<1x!tpu.dma_semaphore, #tpu.memory_space<semaphore_mem>>
      %dma_start3A_236 = tpu.memref_squeeze %dma_start3A_235 : memref<1x!tpu.dma_semaphore, #tpu.memory_space<semaphore_mem>> -> memref<!tpu.dma_semaphore, #tpu.memory_space<semaphore_mem>>
      tpu.enqueue_indirect_dma source(%dma_start3A_234 : memref<8192x1024xf32, #tpu.memory_space<hbm>>) target(%dma_start3A_230 : memref<32x1024xf32, #tpu.memory_space<vmem>>) offsets(%dma_start3A_231 : memref<32xi32, #tpu.memory_space<vmem>>) semaphore(%dma_start3A_236 : memref<!tpu.dma_semaphore, #tpu.memory_space<semaphore_mem>>)
      %dma_wait3A_237 = arith.constant 0 : i32
      %dma_wait3A_238 = arith.constant 0 : i32
      %dma_wait3A_239 = tpu.memref_slice %arg6[%rem3A_204, %dma_wait3A_237, %dma_wait3A_238] : memref<3x32x1024xf32, #tpu.memory_space<vmem>> -> memref<1x32x1024xf32, #tpu.memory_space<vmem>>
      %dma_wait3A_240 = tpu.memref_squeeze %dma_wait3A_239 : memref<1x32x1024xf32, #tpu.memory_space<vmem>> -> memref<32x1024xf32, #tpu.memory_space<vmem>>
      %dma_wait3A_241 = arith.constant 0 : i32
      %dma_wait3A_242 = arith.constant 0 : i32
      %dma_wait3A_243 = tpu.memref_slice %arg2[%dma_wait3A_241, %dma_wait3A_242] : memref<8192x1024xf32, #tpu.memory_space<hbm>> -> memref<32x1024xf32, #tpu.memory_space<hbm>>
      %dma_wait3A_244 = tpu.memref_slice %arg7[%rem3A_204] : memref<3x!tpu.dma_semaphore, #tpu.memory_space<semaphore_mem>> -> memref<1x!tpu.dma_semaphore, #tpu.memory_space<semaphore_mem>>
      %dma_wait3A_245 = tpu.memref_squeeze %dma_wait3A_244 : memref<1x!tpu.dma_semaphore, #tpu.memory_space<semaphore_mem>> -> memref<!tpu.dma_semaphore, #tpu.memory_space<semaphore_mem>>
      %dma_wait3A_246 = arith.constant 0 : i32
      %dma_wait3A_247 = arith.constant 0 : i32
      %dma_wait3A_248 = tpu.memref_slice %arg6[%rem3A_204, %dma_wait3A_246, %dma_wait3A_247] : memref<3x32x1024xf32, #tpu.memory_space<vmem>> -> memref<1x32x1024xf32, #tpu.memory_space<vmem>>
      %dma_wait3A_249 = tpu.memref_squeeze %dma_wait3A_248 : memref<1x32x1024xf32, #tpu.memory_space<vmem>> -> memref<32x1024xf32, #tpu.memory_space<vmem>>
      %dma_wait3A_250 = arith.constant 0 : i32
      %dma_wait3A_251 = arith.constant 0 : i32
      %dma_wait3A_252 = tpu.memref_slice %arg2[%dma_wait3A_250, %dma_wait3A_251] : memref<8192x1024xf32, #tpu.memory_space<hbm>> -> memref<32x1024xf32, #tpu.memory_space<hbm>>
      tpu.wait_dma2 semaphore(%dma_wait3A_245 : memref<!tpu.dma_semaphore, #tpu.memory_space<semaphore_mem>>) src(%dma_wait3A_252 : memref<32x1024xf32, #tpu.memory_space<hbm>>) dst(%dma_wait3A_249 : memref<32x1024xf32, #tpu.memory_space<vmem>>)
      %mul3A_253 = arith.constant 32 : i32
      %mul3A_254 = arith.muli %scan3A_202, %mul3A_253 : i32
      %add3A_255 = arith.addi %mul3A_2, %mul3A_254 : i32
      %dma_start3A_256 = arith.constant 0 : i32
      %dma_start3A_257 = arith.constant 0 : i32
      %dma_start3A_258 = tpu.memref_slice %arg6[%rem3A_204, %dma_start3A_256, %dma_start3A_257] : memref<3x32x1024xf32, #tpu.memory_space<vmem>> -> memref<1x32x1024xf32, #tpu.memory_space<vmem>>
      %dma_start3A_259 = tpu.memref_squeeze %dma_start3A_258 : memref<1x32x1024xf32, #tpu.memory_space<vmem>> -> memref<32x1024xf32, #tpu.memory_space<vmem>>
      %dma_start3A_260 = arith.constant 0 : i32
      %dma_start3A_261 = tpu.memref_slice %arg4[%add3A_255, %dma_start3A_260] : memref<32768x1024xf32, #tpu.memory_space<hbm>> -> memref<32x1024xf32, #tpu.memory_space<hbm>>
      %dma_start3A_262 = tpu.memref_slice %arg8[%rem3A_204] : memref<3x!tpu.dma_semaphore, #tpu.memory_space<semaphore_mem>> -> memref<1x!tpu.dma_semaphore, #tpu.memory_space<semaphore_mem>>
      %dma_start3A_263 = tpu.memref_squeeze %dma_start3A_262 : memref<1x!tpu.dma_semaphore, #tpu.memory_space<semaphore_mem>> -> memref<!tpu.dma_semaphore, #tpu.memory_space<semaphore_mem>>
      %dma_start3A_264 = arith.constant 0 : i32
      %dma_start3A_265 = tpu.memref_slice %arg4[%add3A_255, %dma_start3A_264] : memref<32768x1024xf32, #tpu.memory_space<hbm>> -> memref<32x1024xf32, #tpu.memory_space<hbm>>
      %dma_start3A_266 = arith.constant 0 : i32
      %dma_start3A_267 = arith.constant 0 : i32
      %dma_start3A_268 = tpu.memref_slice %arg6[%rem3A_204, %dma_start3A_266, %dma_start3A_267] : memref<3x32x1024xf32, #tpu.memory_space<vmem>> -> memref<1x32x1024xf32, #tpu.memory_space<vmem>>
      %dma_start3A_269 = tpu.memref_squeeze %dma_start3A_268 : memref<1x32x1024xf32, #tpu.memory_space<vmem>> -> memref<32x1024xf32, #tpu.memory_space<vmem>>
      tpu.enqueue_dma source(%dma_start3A_269 : memref<32x1024xf32, #tpu.memory_space<vmem>>) target(%dma_start3A_265 : memref<32x1024xf32, #tpu.memory_space<hbm>>) target_semaphore(%dma_start3A_263 : memref<!tpu.dma_semaphore, #tpu.memory_space<semaphore_mem>>)
      %scan3A_270 = arith.constant 0 : i32
      scf.yield %scan3A_270 : i32
    }
    %scan3A_117 = arith.constant 29 : i32
    %dma_wait3A_118 = arith.constant 1 : i32
    %dma_wait3A_119 = arith.constant 1 : i32
    %dma_wait3A_120 = arith.constant 0 : i32
    %dma_wait3A_121 = arith.constant 0 : i32
    %dma_wait3A_122 = tpu.memref_slice %arg6[%dma_wait3A_118, %dma_wait3A_120, %dma_wait3A_121] : memref<3x32x1024xf32, #tpu.memory_space<vmem>> -> memref<1x32x1024xf32, #tpu.memory_space<vmem>>
    %dma_wait3A_123 = tpu.memref_squeeze %dma_wait3A_122 : memref<1x32x1024xf32, #tpu.memory_space<vmem>> -> memref<32x1024xf32, #tpu.memory_space<vmem>>
    %dma_wait3A_124 = arith.constant 0 : i32
    %dma_wait3A_125 = arith.constant 0 : i32
    %dma_wait3A_126 = tpu.memref_slice %arg2[%dma_wait3A_124, %dma_wait3A_125] : memref<8192x1024xf32, #tpu.memory_space<hbm>> -> memref<32x1024xf32, #tpu.memory_space<hbm>>
    %dma_wait3A_127 = tpu.memref_slice %arg7[%dma_wait3A_119] : memref<3x!tpu.dma_semaphore, #tpu.memory_space<semaphore_mem>> -> memref<1x!tpu.dma_semaphore, #tpu.memory_space<semaphore_mem>>
    %dma_wait3A_128 = tpu.memref_squeeze %dma_wait3A_127 : memref<1x!tpu.dma_semaphore, #tpu.memory_space<semaphore_mem>> -> memref<!tpu.dma_semaphore, #tpu.memory_space<semaphore_mem>>
    %dma_wait3A_129 = arith.constant 0 : i32
    %dma_wait3A_130 = arith.constant 0 : i32
    %dma_wait3A_131 = tpu.memref_slice %arg6[%dma_wait3A_118, %dma_wait3A_129, %dma_wait3A_130] : memref<3x32x1024xf32, #tpu.memory_space<vmem>> -> memref<1x32x1024xf32, #tpu.memory_space<vmem>>
    %dma_wait3A_132 = tpu.memref_squeeze %dma_wait3A_131 : memref<1x32x1024xf32, #tpu.memory_space<vmem>> -> memref<32x1024xf32, #tpu.memory_space<vmem>>
    %dma_wait3A_133 = arith.constant 0 : i32
    %dma_wait3A_134 = arith.constant 0 : i32
    %dma_wait3A_135 = tpu.memref_slice %arg2[%dma_wait3A_133, %dma_wait3A_134] : memref<8192x1024xf32, #tpu.memory_space<hbm>> -> memref<32x1024xf32, #tpu.memory_space<hbm>>
    tpu.wait_dma2 semaphore(%dma_wait3A_128 : memref<!tpu.dma_semaphore, #tpu.memory_space<semaphore_mem>>) src(%dma_wait3A_135 : memref<32x1024xf32, #tpu.memory_space<hbm>>) dst(%dma_wait3A_132 : memref<32x1024xf32, #tpu.memory_space<vmem>>)
    %add3A_136 = arith.constant 992 : i32
    %add3A_137 = arith.addi %mul3A_2, %add3A_136 : i32
    %dma_start3A_138 = arith.constant 1 : i32
    %dma_start3A_139 = arith.constant 1 : i32
    %dma_start3A_140 = arith.constant 0 : i32
    %dma_start3A_141 = arith.constant 0 : i32
    %dma_start3A_142 = tpu.memref_slice %arg6[%dma_start3A_138, %dma_start3A_140, %dma_start3A_141] : memref<3x32x1024xf32, #tpu.memory_space<vmem>> -> memref<1x32x1024xf32, #tpu.memory_space<vmem>>
    %dma_start3A_143 = tpu.memref_squeeze %dma_start3A_142 : memref<1x32x1024xf32, #tpu.memory_space<vmem>> -> memref<32x1024xf32, #tpu.memory_space<vmem>>
    %dma_start3A_144 = arith.constant 0 : i32
    %dma_start3A_145 = tpu.memref_slice %arg4[%add3A_137, %dma_start3A_144] : memref<32768x1024xf32, #tpu.memory_space<hbm>> -> memref<32x1024xf32, #tpu.memory_space<hbm>>
    %dma_start3A_146 = tpu.memref_slice %arg8[%dma_start3A_139] : memref<3x!tpu.dma_semaphore, #tpu.memory_space<semaphore_mem>> -> memref<1x!tpu.dma_semaphore, #tpu.memory_space<semaphore_mem>>
    %dma_start3A_147 = tpu.memref_squeeze %dma_start3A_146 : memref<1x!tpu.dma_semaphore, #tpu.memory_space<semaphore_mem>> -> memref<!tpu.dma_semaphore, #tpu.memory_space<semaphore_mem>>
    %dma_start3A_148 = arith.constant 0 : i32
    %dma_start3A_149 = tpu.memref_slice %arg4[%add3A_137, %dma_start3A_148] : memref<32768x1024xf32, #tpu.memory_space<hbm>> -> memref<32x1024xf32, #tpu.memory_space<hbm>>
    %dma_start3A_150 = arith.constant 0 : i32
    %dma_start3A_151 = arith.constant 0 : i32
    %dma_start3A_152 = tpu.memref_slice %arg6[%dma_start3A_138, %dma_start3A_150, %dma_start3A_151] : memref<3x32x1024xf32, #tpu.memory_space<vmem>> -> memref<1x32x1024xf32, #tpu.memory_space<vmem>>
    %dma_start3A_153 = tpu.memref_squeeze %dma_start3A_152 : memref<1x32x1024xf32, #tpu.memory_space<vmem>> -> memref<32x1024xf32, #tpu.memory_space<vmem>>
    tpu.enqueue_dma source(%dma_start3A_153 : memref<32x1024xf32, #tpu.memory_space<vmem>>) target(%dma_start3A_149 : memref<32x1024xf32, #tpu.memory_space<hbm>>) target_semaphore(%dma_start3A_147 : memref<!tpu.dma_semaphore, #tpu.memory_space<semaphore_mem>>)
    %dma_wait3A_154 = arith.constant 0 : i32
    %dma_wait3A_155 = arith.constant 0 : i32
    %dma_wait3A_156 = arith.constant 0 : i32
    %dma_wait3A_157 = arith.constant 0 : i32
    %dma_wait3A_158 = tpu.memref_slice %arg6[%dma_wait3A_154, %dma_wait3A_156, %dma_wait3A_157] : memref<3x32x1024xf32, #tpu.memory_space<vmem>> -> memref<1x32x1024xf32, #tpu.memory_space<vmem>>
    %dma_wait3A_159 = tpu.memref_squeeze %dma_wait3A_158 : memref<1x32x1024xf32, #tpu.memory_space<vmem>> -> memref<32x1024xf32, #tpu.memory_space<vmem>>
    %dma_wait3A_160 = arith.constant 0 : i32
    %dma_wait3A_161 = tpu.memref_slice %arg4[%mul3A_2, %dma_wait3A_160] : memref<32768x1024xf32, #tpu.memory_space<hbm>> -> memref<32x1024xf32, #tpu.memory_space<hbm>>
    %dma_wait3A_162 = tpu.memref_slice %arg8[%dma_wait3A_155] : memref<3x!tpu.dma_semaphore, #tpu.memory_space<semaphore_mem>> -> memref<1x!tpu.dma_semaphore, #tpu.memory_space<semaphore_mem>>
    %dma_wait3A_163 = tpu.memref_squeeze %dma_wait3A_162 : memref<1x!tpu.dma_semaphore, #tpu.memory_space<semaphore_mem>> -> memref<!tpu.dma_semaphore, #tpu.memory_space<semaphore_mem>>
    %dma_wait3A_164 = arith.constant 0 : i32
    %dma_wait3A_165 = tpu.memref_slice %arg4[%mul3A_2, %dma_wait3A_164] : memref<32768x1024xf32, #tpu.memory_space<hbm>> -> memref<32x1024xf32, #tpu.memory_space<hbm>>
    %dma_wait3A_166 = arith.constant 0 : i32
    %dma_wait3A_167 = arith.constant 0 : i32
    %dma_wait3A_168 = tpu.memref_slice %arg6[%dma_wait3A_154, %dma_wait3A_166, %dma_wait3A_167] : memref<3x32x1024xf32, #tpu.memory_space<vmem>> -> memref<1x32x1024xf32, #tpu.memory_space<vmem>>
    %dma_wait3A_169 = tpu.memref_squeeze %dma_wait3A_168 : memref<1x32x1024xf32, #tpu.memory_space<vmem>> -> memref<32x1024xf32, #tpu.memory_space<vmem>>
    tpu.wait_dma2 semaphore(%dma_wait3A_163 : memref<!tpu.dma_semaphore, #tpu.memory_space<semaphore_mem>>) src(%dma_wait3A_169 : memref<32x1024xf32, #tpu.memory_space<vmem>>) dst(%dma_wait3A_165 : memref<32x1024xf32, #tpu.memory_space<hbm>>)
    %dma_wait3A_170 = arith.constant 1 : i32
    %dma_wait3A_171 = arith.constant 1 : i32
    %dma_wait3A_172 = arith.constant 0 : i32
    %dma_wait3A_173 = arith.constant 0 : i32
    %dma_wait3A_174 = tpu.memref_slice %arg6[%dma_wait3A_170, %dma_wait3A_172, %dma_wait3A_173] : memref<3x32x1024xf32, #tpu.memory_space<vmem>> -> memref<1x32x1024xf32, #tpu.memory_space<vmem>>
    %dma_wait3A_175 = tpu.memref_squeeze %dma_wait3A_174 : memref<1x32x1024xf32, #tpu.memory_space<vmem>> -> memref<32x1024xf32, #tpu.memory_space<vmem>>
    %dma_wait3A_176 = arith.constant 0 : i32
    %dma_wait3A_177 = tpu.memref_slice %arg4[%mul3A_2, %dma_wait3A_176] : memref<32768x1024xf32, #tpu.memory_space<hbm>> -> memref<32x1024xf32, #tpu.memory_space<hbm>>
    %dma_wait3A_178 = tpu.memref_slice %arg8[%dma_wait3A_171] : memref<3x!tpu.dma_semaphore, #tpu.memory_space<semaphore_mem>> -> memref<1x!tpu.dma_semaphore, #tpu.memory_space<semaphore_mem>>
    %dma_wait3A_179 = tpu.memref_squeeze %dma_wait3A_178 : memref<1x!tpu.dma_semaphore, #tpu.memory_space<semaphore_mem>> -> memref<!tpu.dma_semaphore, #tpu.memory_space<semaphore_mem>>
    %dma_wait3A_180 = arith.constant 0 : i32
    %dma_wait3A_181 = tpu.memref_slice %arg4[%mul3A_2, %dma_wait3A_180] : memref<32768x1024xf32, #tpu.memory_space<hbm>> -> memref<32x1024xf32, #tpu.memory_space<hbm>>
    %dma_wait3A_182 = arith.constant 0 : i32
    %dma_wait3A_183 = arith.constant 0 : i32
    %dma_wait3A_184 = tpu.memref_slice %arg6[%dma_wait3A_170, %dma_wait3A_182, %dma_wait3A_183] : memref<3x32x1024xf32, #tpu.memory_space<vmem>> -> memref<1x32x1024xf32, #tpu.memory_space<vmem>>
    %dma_wait3A_185 = tpu.memref_squeeze %dma_wait3A_184 : memref<1x32x1024xf32, #tpu.memory_space<vmem>> -> memref<32x1024xf32, #tpu.memory_space<vmem>>
    tpu.wait_dma2 semaphore(%dma_wait3A_179 : memref<!tpu.dma_semaphore, #tpu.memory_space<semaphore_mem>>) src(%dma_wait3A_185 : memref<32x1024xf32, #tpu.memory_space<vmem>>) dst(%dma_wait3A_181 : memref<32x1024xf32, #tpu.memory_space<hbm>>)
    %dma_wait3A_186 = arith.constant 2 : i32
    %dma_wait3A_187 = arith.constant 2 : i32
    %dma_wait3A_188 = arith.constant 0 : i32
    %dma_wait3A_189 = arith.constant 0 : i32
    %dma_wait3A_190 = tpu.memref_slice %arg6[%dma_wait3A_186, %dma_wait3A_188, %dma_wait3A_189] : memref<3x32x1024xf32, #tpu.memory_space<vmem>> -> memref<1x32x1024xf32, #tpu.memory_space<vmem>>
    %dma_wait3A_191 = tpu.memref_squeeze %dma_wait3A_190 : memref<1x32x1024xf32, #tpu.memory_space<vmem>> -> memref<32x1024xf32, #tpu.memory_space<vmem>>
    %dma_wait3A_192 = arith.constant 0 : i32
    %dma_wait3A_193 = tpu.memref_slice %arg4[%mul3A_2, %dma_wait3A_192] : memref<32768x1024xf32, #tpu.memory_space<hbm>> -> memref<32x1024xf32, #tpu.memory_space<hbm>>
    %dma_wait3A_194 = tpu.memref_slice %arg8[%dma_wait3A_187] : memref<3x!tpu.dma_semaphore, #tpu.memory_space<semaphore_mem>> -> memref<1x!tpu.dma_semaphore, #tpu.memory_space<semaphore_mem>>
    %dma_wait3A_195 = tpu.memref_squeeze %dma_wait3A_194 : memref<1x!tpu.dma_semaphore, #tpu.memory_space<semaphore_mem>> -> memref<!tpu.dma_semaphore, #tpu.memory_space<semaphore_mem>>
    %dma_wait3A_196 = arith.constant 0 : i32
    %dma_wait3A_197 = tpu.memref_slice %arg4[%mul3A_2, %dma_wait3A_196] : memref<32768x1024xf32, #tpu.memory_space<hbm>> -> memref<32x1024xf32, #tpu.memory_space<hbm>>
    %dma_wait3A_198 = arith.constant 0 : i32
    %dma_wait3A_199 = arith.constant 0 : i32
    %dma_wait3A_200 = tpu.memref_slice %arg6[%dma_wait3A_186, %dma_wait3A_198, %dma_wait3A_199] : memref<3x32x1024xf32, #tpu.memory_space<vmem>> -> memref<1x32x1024xf32, #tpu.memory_space<vmem>>
    %dma_wait3A_201 = tpu.memref_squeeze %dma_wait3A_200 : memref<1x32x1024xf32, #tpu.memory_space<vmem>> -> memref<32x1024xf32, #tpu.memory_space<vmem>>
    tpu.wait_dma2 semaphore(%dma_wait3A_195 : memref<!tpu.dma_semaphore, #tpu.memory_space<semaphore_mem>>) src(%dma_wait3A_201 : memref<32x1024xf32, #tpu.memory_space<vmem>>) dst(%dma_wait3A_197 : memref<32x1024xf32, #tpu.memory_space<hbm>>)
    return
  }
}

</mosaic_0001>

<sc_bundles>
// kernel: kernel.3.cloned.1.call-start
scs
__scs_entry_jumppad:
0x0: {  	(pc) =	sbr.rel $0x88, $3  }
0x1: {  	(tag) =	ssettag $0x0;
	lr =	simm.s32 $0x1  }
0x2: {  	[smem:$0x3F9F] =	sst lr;
	_ =	strace $0xD0000000  }
0x3: {  	_ = 	snop  }
0x4: {  	_ = 	snop  }
0x5: {  	_ = 	snop  }
0x6: {  	_ = 	snop  }
0x7: {  	_ = 	snop  }
__scs_overlays_trampoline_lowered:
0x8: {  	[smem:$0x3FAE] =	sst s0  }
0x9: {  	[smem:$0x3FAF] =	sst s1  }
0xa: {  	[smem:$0x3FB0] =	sst s2  }
0xb: {  	[smem:$0x3FB1] =	sst s3  }
0xc: {  	[smem:$0x3FB2] =	sst s4  }
0xd: {  	[smem:$0x3FB3] =	sst s5  }
0xe: {  	[smem:$0x3FB4] =	sst s6  }
0xf: {  	[smem:$0x3FB5] =	sst s7  }
0x10: {  	[smem:$0x3FB6] =	sst s8  }
0x11: {  	[smem:$0x3FB7] =	sst s9;
	s0 =	simm.s32 @!p0 $0x0  }
0x12: {  	s1 =	sld [smem:$0x3F9D];
	s0 =	simm.s32 @p0 $0x1  }
0x13: {  	[smem:$0x3FB8] =	sst s0;
	s0 =	simm.s32 @!p1 $0x0  }
0x14: {  	s2 =	sld [smem:$0x3F9C];
	s0 =	simm.s32 @p1 $0x1  }
0x15: {  	[smem:$0x3FB9] =	sst s0;
	s0 =	simm.s32 @!p2 $0x0  }
0x16: {  	s3 =	sld [smem:$0x3FDB];
	s0 =	simm.s32 @p2 $0x1  }
0x17: {  	s4 =	simm.s32 $0x1BF5;
	[smem:$0x3FBB] =	sst s0  }
0x18: {  	s0 =	sld [smem:$0x3F9E];
	_ =	swait.ge [sflag:s4], $0x0  }
0x19: {  	s7 =	sld [smem:$0x3F9F]  }
0x1a: {  	s8 =	sadd.s32 $0xFFFFE003, lr  }
0x1b: {  	s9 =	sadd.s32 $0xFFFFFEF7, lr;
	s5 =	simm.s32 $0xFFFFFFFF;
	p2 =	slt.u32 s8, $0xFFFFF086  }
0x1c: {  	p1 =	slt.u32 s9, $0xF7A;
	s5 =	simm.s32 @!p2 $0x0  }
0x1d: {  	s5 =	simm.s32 @p1 $0x1;
	p0 =	seq.s32 s7, s2  }
0x1e: {  	s7 =	smul.u32 @!p0 $0xF7A, s2;
	p2 =	seq.s32 @!p0 s5, $0x0  }
0x1f: {  	s9 =	smul.u32 $0xF7A, s1;
	s8 =	simm.s32 @!p0 $0x1BF5;
	p2 =	por !p2, p0  }
0x20: {  	[sflag:s8] =	ssyncset.s32 @!p0 $0xFFFFF086;
	s6 =	sadd.s32 @!p0 s3, s7;
	s7 =	simm.s32 @!p0 $0x108  }
0x21: {  	s3 =	sadd.s32 s3, s9;
	s6 =	sadd.s32 @!p0 $0x88, s6;
	s7 =	simm.s32 @p2 $0x1082  }
0x22: {  	[simem:s7], [sflag:s8] =	dma.local @!p0 [hbm:s6], $0xF7A  }
0x23: {  	s9 =	sor.u32 $0xD0000000, s2;
	s6 =	simm.s32 $0x108;
	_ =	swait.ge @!p0 [sflag:s8], $0x0  }
0x24: {  	s3 =	sadd.s32 $0x88, s3;
	s6 =	simm.s32 @!p1 $0x1082;
	[sflag:s4] =	ssyncset.s32 $0xFFFFF086  }
0x25: {  	[simem:s6], [sflag:s4] =	dma.local [hbm:s3], $0xF7A  }
0x26: {  	[smem:$0x3F9F] =	sst s1;
	(tag) =	ssettag s2;
	_ =	strace s9  }
0x27: {  	s1 =	sld [smem:$0x3FAF]  }
0x28: {  	s2 =	sld [smem:$0x3FB0]  }
0x29: {  	s4 =	sld [smem:$0x3FB2]  }
0x2a: {  	p0 =	seq.s32 s5, $0x0;
	s5 =	sld [smem:$0x3FB3]  }
0x2b: {  	s6 =	sld [smem:$0x3FB4]  }
0x2c: {  	s7 =	sld [smem:$0x3FB5]  }
0x2d: {  	s3 =	simm.s32 $0x108;
	s8 =	sld [smem:$0x3FB6]  }
0x2e: {  	s3 =	simm.s32 @!p0 $0x1082;
	s9 =	sld [smem:$0x3FB7]  }
0x2f: {  	lr =	sadd.s32 s0, s3;
	s0 =	sld [smem:$0x3FAE]  }
0x30: {  	s3 =	sld [smem:$0x3FB1]  }
0x31: {  	[smem:$0x3FBA] =	sst s10  }
0x32: {  	s10 =	sld [smem:$0x3FB8];
	_ =	sdelay $0x3  }
0x33: {  	p0 =	seq.s32 s10, $0x1;
	s10 =	sld [smem:$0x3FBA];
	_ =	sdelay $0x3  }
0x34: {  	[smem:$0x3FBA] =	sst s10  }
0x35: {  	s10 =	sld [smem:$0x3FB9];
	_ =	sdelay $0x3  }
0x36: {  	p1 =	seq.s32 s10, $0x1;
	s10 =	sld [smem:$0x3FBA];
	_ =	sdelay $0x3  }
0x37: {  	[smem:$0x3FBA] =	sst s10  }
0x38: {  	s10 =	sld [smem:$0x3FBB]  }
0x39: {  	_ = 	snop;
	(pc) =	sbr.ind lr, $3  }
0x3a: {  	_ = 	snop  }
0x3b: {  	_ = 	snop  }
0x3c: {  	p2 =	seq.s32 s10, $0x1;
	s10 =	sld [smem:$0x3FBA]  }
0x3d: {  	_ =	shalt  }
0x3e: {  	_ =	shalt  }
0x3f: {  	_ =	shalt  }
0x40: {  	_ =	shalt  }
0x41: {  	_ =	shalt  }
0x42: {  	_ =	shalt  }
0x43: {  	_ =	shalt  }
0x44: {  	_ =	shalt  }
0x45: {  	_ =	shalt  }
0x46: {  	_ =	shalt  }
0x47: {  	_ =	shalt  }
0x48: {  	_ =	shalt  }
0x49: {  	_ =	shalt  }
0x4a: {  	_ =	shalt  }
0x4b: {  	_ =	shalt  }
0x4c: {  	_ =	shalt  }
0x4d: {  	_ =	shalt  }
0x4e: {  	_ =	shalt  }
0x4f: {  	_ =	shalt  }
0x50: {  	_ =	shalt  }
0x51: {  	_ =	shalt  }
0x52: {  	_ =	shalt  }
0x53: {  	_ =	shalt  }
0x54: {  	_ =	shalt  }
0x55: {  	_ =	shalt  }
0x56: {  	_ =	shalt  }
0x57: {  	_ =	shalt  }
0x58: {  	_ =	shalt  }
0x59: {  	_ =	shalt  }
0x5a: {  	_ =	shalt  }
0x5b: {  	_ =	shalt  }
0x5c: {  	_ =	shalt  }
0x5d: {  	_ =	shalt  }
0x5e: {  	_ =	shalt  }
0x5f: {  	_ =	shalt  }
0x60: {  	_ =	shalt  }
0x61: {  	_ =	shalt  }
0x62: {  	_ =	shalt  }
0x63: {  	_ =	shalt  }
0x64: {  	_ =	shalt  }
0x65: {  	_ =	shalt  }
0x66: {  	_ =	shalt  }
0x67: {  	_ =	shalt  }
0x68: {  	_ =	shalt  }
0x69: {  	_ =	shalt  }
0x6a: {  	_ =	shalt  }
0x6b: {  	_ =	shalt  }
0x6c: {  	_ =	shalt  }
0x6d: {  	_ =	shalt  }
0x6e: {  	_ =	shalt  }
0x6f: {  	_ =	shalt  }
0x70: {  	_ =	shalt  }
0x71: {  	_ =	shalt  }
0x72: {  	_ =	shalt  }
0x73: {  	_ =	shalt  }
0x74: {  	_ =	shalt  }
0x75: {  	_ =	shalt  }
0x76: {  	_ =	shalt  }
0x77: {  	_ =	shalt  }
0x78: {  	_ =	shalt  }
0x79: {  	_ =	shalt  }
0x7a: {  	_ =	shalt  }
0x7b: {  	_ =	shalt  }
0x7c: {  	_ =	shalt  }
0x7d: {  	_ =	shalt  }
0x7e: {  	_ =	shalt  }
0x7f: {  	_ =	shalt  }
0x80: {  	_ =	shalt  }
0x81: {  	_ =	shalt  }
0x82: {  	_ =	shalt  }
0x83: {  	_ =	shalt  }
0x84: {  	_ =	shalt  }
0x85: {  	_ =	shalt  }
0x86: {  	_ =	shalt  }
0x87: {  	_ =	shalt  }
.Lfunc_end0:
.L_simem_size_0:
called_computation_lowered:
.L_overlay_start_0:
0x88: {  	s2 =	sld [smem:$0x3FD9]  }
0x89: {  	s3 =	sld [smem:$0x3FFE];
	_ =	sdelay $0x1  }
0x8a: {  	s1 =	srdreg.scid  }
0x8b: {  	s0 =	sand.u32 $0x1, s1  }
0x8c: {  	s17 =	sshll.u32 s0, $0xA;
	s2 =	sadd.s32 s3, s2  }
0x8d: {  	s2 =	sadd.s32 s2, s17  }
0x8e: {  	[smem:$0x3FC6] =	sst s2  }
0x8f: {  	_ = 	snop  }
0x90: {  	s2 =	sld [smem:$0x3FC8]  }
0x91: {  	s18 =	sld [smem:$0x3FD0];
	(tm) =	ssettm $0x1  }
0x92: {  	s4 =	sld [smem:$0x3FFB];
	_ =	sdelay $0x3  }
0x93: {  	_ =	strace s4  }
0x94: {  	s4 =	sld [smem:$0x3FFC];
	_ =	sdelay $0x3  }
0x95: {  	_ =	strace s4  }
0x96: {  	s4 =	sld [smem:$0x3FFD];
	_ =	sdelay $0x3  }
0x97: {  	_ =	strace s4  }
0x98: {  	_ =	strace $0x8FFFFFFF  }
0x99: {  	s19 =	sld [smem:$0x3FDB];
	_ =	sdelay $0x1  }
0x9a: {  	s5 =	simm.s32 $_scs_section_size  }
0x9b: {  	s6 =	simm.s32 $_size__tile_overlayer_lowered;
	s7 =	simm.s32 $_tile_overlayer_lowered  }
0x9c: {  	s22 =	simm.s32 $0x1BFF;
	s21 =	sshll.u32 s7, $0x1;
	s4 =	sadd.s32 s5, s19  }
0x9d: {  	s8 =	simm.s32 $0x0;
	s20 =	sshll.u32 s6, $0x1;
	s6 =	sadd.s32 s21, s4  }
0x9e: {  	[timem:s8], [sflag:s22] =	dma.local [hbm:s6], s20  }
0x9f: {  	_ =	swait.ge [sflag:s22], s20  }
0xa0: {  	s5 =	ssub.s32 $0x0, s20;
	[sflag:s22] =	ssyncset.done $0x0  }
0xa1: {  	[sflag:s22] =	ssyncadd.s32 s5;
	_ =	sdelay $0x1  }
0xa2: {  	s23 =	simm.s32 $0x1B8B  }
0xa3: {  	_ =	swait.ge [sflag:s23], $0x1  }
0xa4: {  	[sflag:s23] =	ssyncset.done $0x0  }
0xa5: {  	s25 =	simm.s32 $0x1B8E;
	s24 =	sld [smem:$0x3FFE];
	[sflag:s23] =	ssyncadd.s32 $0xFFFFFFFF  }
0xa6: {  	s26 =	simm.s32 $execute0_lowered;
	[smem:$0x3FD2] =	sst s25  }
0xa7: {  	s6 =	sshll.u32 s26, $0x1;
	_ =	strace $0x80000046;
	[dreg:$0x1] =	wrdreg $0xFFFFFFFF  }
0xa8: {  	s28 =	simm.s32 $_size_execute0_lowered;
	s4 =	sadd.s32 s4, s6;
	[dreg:$0x0] =	wrdreg $0x0  }
0xa9: {  	s6 =	sshll.u32 s28, $0x1;
	[dreg:$0x2] =	wrdreg s4  }
0xaa: {  	[dreg:$0x3] =	wrdreg s6  }
0xab: {  	[dreg:$0x4] =	wrdreg $0xC0  }
0xac: {  	_ =	task [dreg:s8], $0x5FFFF  }
0xad: {  	[dreg:$0x1] =	wrdreg $0xFFFFFFFF  }
0xae: {  	[dreg:$0x0] =	wrdreg $0x60  }
0xaf: {  	[dreg:$0x2] =	wrdreg s2  }
0xb0: {  	[dreg:$0x3] =	wrdreg s24  }
0xb1: {  	[dreg:$0x4] =	wrdreg s18  }
0xb2: {  	[dreg:$0x5] =	wrdreg $0x9  }
0xb3: {  	_ =	task.clear_ibuf [dreg:s8], $0x6FFFF;
	_ =	strace $0x90000046  }
0xb4: {  	s29 =	simm.s32 $0x9;
	_ =	strace $0x80000048  }
0xb5: {  	_ =	swait.ge [sflag:s29], $0x1  }
0xb6: {  	[sflag:s29] =	ssyncadd.s32 $0xFFFFFFFF  }
0xb7: {  	_ =	strace $0x90000048  }
0xb8: {  	_ =	sfence  }
0xb9: {  	s30 =	sld [smem:$0x0];
	_ =	sdelay $0x2  }
0xba: {  	s31 =	sshll.u32 s1, $0xD;
	s1 =	sshrl.u32 s1, $0x2  }
0xbb: {  	s3 =	sand.u32 $0x4000, s31;
	s1 =	sadd.s32 s1, s30  }
0xbc: {  	s0 =	sor.u32 s3, s0;
	s1 =	sshll.u32 s1, $0x11  }
0xbd: {  	s0 =	sor.u32 s1, s0  }
0xbe: {  	s0 =	sadd.s32 $0x8F2B, s0  }
0xbf: {  	[sflag:s0] =	ssyncadd.remote.s32 $0x1  }
0xc0: {  	_ =	sfence.sel $0xFFFF  }
0xc1: {  	[dreg:$0x0] =	wrdreg $0xFFFFFFFF;
	(pc) =	sbr.abs _section_cstart, $3  }
0xc2: {  	[dreg:$0x1] =	wrdreg $0xFFFFFFFF  }
0xc3: {  	_ =	task.clear_ibuf [dreg:s8], $0x2FFFF;
	_ =	strace $0x9FFFFFFF  }
0xc4: {  	(tm) =	ssettm $0x7FFFFFFF  }
0xc5: {  	_ =	shalt  }
tec
execute0_lowered:
.L_overlay_start_1:
0x0: {  	(tag) =	ssettag $0x1  }
0x1: {  	s2 =	rddreg [dreg:$0x0]  }
0x2: {  	s0 =	rddreg [dreg:$0x1];
	s1 =	srdreg.scid  }
0x3: {  	s4 =	rddreg [dreg:$0x2];
	s9 =	stileid.u32  }
0x4: {  	s3 =	simm.s32 $0x0;
	s13 =	simm.s32 $0x7;
	s31 =	simm.s32 $0x8400  }
0x5: {  	s29 =	simm.s32 $0x1;
	s30 =	simm.s32 $0x2;
	s15 =	simm.s32 $0x6  }
0x6: {  	s16 =	simm.s32 $0x0;
	s1 =	sand.u32 $0x1, s1;
	s5 =	sshll.u32 s9, $0xB  }
0x7: {  	[smem:$0x7FF] =	sst s3;
	s9 =	sshll.u32 s9, $0x12;
	s6 =	sshll.u32 s1, $0xA  }
0x8: {  	s24 =	ssub.s32 $0x2, s1;
	_ =	strace $0x80000047;
	s26 =	sadd.s32 s9, s4  }
0x9: {  	s1 =	sshll.u32 s1, $0x11;
	s8 =	sor.u32 s6, s5;
	s7 =	sshrl.u32 s24, $0x1  }
0xa: {  	s5 =	sadd.s32 $0x100, s2;
	s6 =	sshrl.u32 s8, $0x3;
	s11 =	ssub.s32 s24, s7  }
0xb: {  	s7 =	sadd.s32 $0x300, s2;
	s25 =	sshll.u32 s8, $0x7;
	s0 =	sadd.s32 s6, s0  }
0xc: {  	s6 =	sadd.s32 $0x200, s2;
	s8 =	sadd.s32 s4, s25;
	s0 =	sadd.s32 $0x400, s0  }
0xd: {  	v2 =	vlaneseq.u32;
	s11 =	smax.u32 s11, $0x1;
	s28 =	sadd.s32 $0x1000, s8;
	[dreg:$0x4] =	wrdreg s0  }
0xe: {  	vm0 =	vmmov $0xffff;
	v1 =	vshrl.u32 v2, $0x3;
	s10 =	sadd.s32 $0x1F000, s8;
	[dreg:$0x5] =	wrdreg s28;
	s0 =	sadd.s32 s1, s26  }
0xf: {  	v0 =	vand.u32 $0x7, v2;
	v2 =	vor.u32 $0x8, v2;
	v1 =	vmul.u32 $0x8, v1;
	s1 =	simm.s32 $0x5;
	s21 =	sadd.s32 $0x2000, s0;
	s0 =	simm.s32 $0x4  }
.LBB2_1:
0x10: {  	s4 =	rddreg [dreg:$0x4]  }
0x11: {  	[tilespmem:s3], [sflag:$0x7] =	stream.linear.gather [hbm4b:s4+s3], $0x400, $0x38;
	[tilespmem:$0x18400] =	vst v63  }
0x12: {  	_ =	swait.ge [sflag:s13], $0x400  }
0x13: {  	[sflag:s13] =	ssyncset.done $0x0  }
0x14: {  	[sflag:s13] =	ssyncadd.s32 $0xFFFFFC00  }
0x15: {  	v3 =	vld [tilespmem:$0x0];
	_ =	sdelay $0x4  }
0x16: {  	v4 =	vshll.u32 v3, $0x3  }
0x17: {  	v3 =	vand.u32 $0x7, v3;
	v4 =	vand.u32 $0xFFFFFFC0, v4  }
0x18: {  	v3 =	vor.u32 v3, v4  }
0x19: {  	v4 =	vperm.xlane v3, v0;
	_ =	sdelay $0x1  }
0x1a: {  	v4 =	vadd.s32 v1, v4;
	_ =	sdelay $0x3  }
0x1b: {  	s4 =	simm.s32 $0x400  }
0x1c: {  	[tilespmem:s4], [sflag:$0x1] =	stream.indirect_vreg.gather [hbm4b:s2+s3], $0x80, v4, vm0, $0xb8;
	[tilespmem:$0x18400] =	vst v63  }
0x1d: {  	s9 =	simm.s32 $0xC00;
	v3 =	vperm.xlane v3, v2  }
0x1e: {  	[tilespmem:s9], [sflag:$0x1] =	stream.indirect_vreg.gather [hbm4b:s5+s3], $0x80, v4, vm0, $0xb8;
	[tilespmem:$0x18400] =	vst v63  }
0x1f: {  	s18 =	simm.s32 $0x1400;
	v3 =	vadd.s32 v1, v3  }
0x20: {  	[tilespmem:s18], [sflag:$0x1] =	stream.indirect_vreg.gather [hbm4b:s6+s3], $0x80, v4, vm0, $0xb8;
	[tilespmem:$0x18400] =	vst v63  }
0x21: {  	s19 =	simm.s32 $0x1C00  }
0x22: {  	[tilespmem:s19], [sflag:$0x1] =	stream.indirect_vreg.gather [hbm4b:s7+s3], $0x80, v4, vm0, $0xb8;
	[tilespmem:$0x18400] =	vst v63  }
0x23: {  	s20 =	simm.s32 $0x2400  }
0x24: {  	[tilespmem:s20], [sflag:$0x1] =	stream.indirect_vreg.gather [hbm4b:s2+s3], $0x80, v3, vm0, $0xb8;
	[tilespmem:$0x18400] =	vst v63  }
0x25: {  	s22 =	simm.s32 $0x2C00  }
0x26: {  	[tilespmem:s22], [sflag:$0x1] =	stream.indirect_vreg.gather [hbm4b:s5+s3], $0x80, v3, vm0, $0xb8;
	[tilespmem:$0x18400] =	vst v63  }
0x27: {  	s23 =	simm.s32 $0x3400  }
0x28: {  	[tilespmem:s23], [sflag:$0x1] =	stream.indirect_vreg.gather [hbm4b:s6+s3], $0x80, v3, vm0, $0xb8;
	[tilespmem:$0x18400] =	vst v63  }
0x29: {  	s24 =	simm.s32 $0x3C00  }
0x2a: {  	[tilespmem:s24], [sflag:$0x1] =	stream.indirect_vreg.gather [hbm4b:s7+s3], $0x80, v3, vm0, $0xb8;
	[tilespmem:$0x18400] =	vst v63  }
0x2b: {  	v3 =	vld [tilespmem:$0x10];
	_ =	sdelay $0x4  }
0x2c: {  	v4 =	vshll.u32 v3, $0x3  }
0x2d: {  	v3 =	vand.u32 $0x7, v3;
	v4 =	vand.u32 $0xFFFFFFC0, v4  }
0x2e: {  	v3 =	vor.u32 v3, v4  }
0x2f: {  	v4 =	vperm.xlane v3, v0;
	_ =	sdelay $0x1  }
0x30: {  	v4 =	vadd.s32 v1, v4;
	_ =	sdelay $0x3  }
0x31: {  	s25 =	simm.s32 $0x4400  }
0x32: {  	[tilespmem:s25], [sflag:$0x1] =	stream.indirect_vreg.gather [hbm4b:s2+s3], $0x80, v4, vm0, $0xb8;
	[tilespmem:$0x18400] =	vst v63  }
0x33: {  	s26 =	simm.s32 $0x4C00;
	v3 =	vperm.xlane v3, v2  }
0x34: {  	[tilespmem:s26], [sflag:$0x1] =	stream.indirect_vreg.gather [hbm4b:s5+s3], $0x80, v4, vm0, $0xb8;
	[tilespmem:$0x18400] =	vst v63  }
0x35: {  	s12 =	simm.s32 $0x5400;
	v3 =	vadd.s32 v1, v3  }
0x36: {  	[tilespmem:s12], [sflag:$0x1] =	stream.indirect_vreg.gather [hbm4b:s6+s3], $0x80, v4, vm0, $0xb8;
	[tilespmem:$0x18400] =	vst v63  }
0x37: {  	s14 =	simm.s32 $0x5C00  }
0x38: {  	[tilespmem:s14], [sflag:$0x1] =	stream.indirect_vreg.gather [hbm4b:s7+s3], $0x80, v4, vm0, $0xb8;
	[tilespmem:$0x18400] =	vst v63  }
0x39: {  	s17 =	simm.s32 $0x6400  }
0x3a: {  	[tilespmem:s17], [sflag:$0x1] =	stream.indirect_vreg.gather [hbm4b:s2+s3], $0x80, v3, vm0, $0xb8;
	[tilespmem:$0x18400] =	vst v63  }
0x3b: {  	s18 =	simm.s32 $0x6C00  }
0x3c: {  	[tilespmem:s18], [sflag:$0x1] =	stream.indirect_vreg.gather [hbm4b:s5+s3], $0x80, v3, vm0, $0xb8;
	[tilespmem:$0x18400] =	vst v63  }
0x3d: {  	s19 =	simm.s32 $0x7400  }
0x3e: {  	[tilespmem:s19], [sflag:$0x1] =	stream.indirect_vreg.gather [hbm4b:s6+s3], $0x80, v3, vm0, $0xb8;
	[tilespmem:$0x18400] =	vst v63  }
0x3f: {  	s20 =	simm.s32 $0x7C00  }
0x40: {  	[tilespmem:s20], [sflag:$0x1] =	stream.indirect_vreg.gather [hbm4b:s7+s3], $0x80, v3, vm0, $0xb8;
	[tilespmem:$0x18400] =	vst v63  }
0x41: {  	v3 =	vld [tilespmem:$0x20];
	_ =	sdelay $0x4  }
0x42: {  	v4 =	vshll.u32 v3, $0x3  }
0x43: {  	v3 =	vand.u32 $0x7, v3;
	v4 =	vand.u32 $0xFFFFFFC0, v4  }
0x44: {  	v3 =	vor.u32 v3, v4  }
0x45: {  	v4 =	vperm.xlane v3, v0;
	_ =	sdelay $0x1  }
0x46: {  	v4 =	vadd.s32 v1, v4;
	_ =	sdelay $0x4  }
0x47: {  	[tilespmem:s31], [sflag:$0x2] =	stream.indirect_vreg.gather [hbm4b:s2+s3], $0x80, v4, vm0, $0xb8;
	[tilespmem:$0x18400] =	vst v63  }
0x48: {  	s22 =	simm.s32 $0x8C00;
	v3 =	vperm.xlane v3, v2  }
0x49: {  	[tilespmem:s22], [sflag:$0x2] =	stream.indirect_vreg.gather [hbm4b:s5+s3], $0x80, v4, vm0, $0xb8;
	[tilespmem:$0x18400] =	vst v63  }
0x4a: {  	s23 =	simm.s32 $0x9400;
	v3 =	vadd.s32 v1, v3  }
0x4b: {  	[tilespmem:s23], [sflag:$0x2] =	stream.indirect_vreg.gather [hbm4b:s6+s3], $0x80, v4, vm0, $0xb8;
	[tilespmem:$0x18400] =	vst v63  }
0x4c: {  	s24 =	simm.s32 $0x9C00  }
0x4d: {  	[tilespmem:s24], [sflag:$0x2] =	stream.indirect_vreg.gather [hbm4b:s7+s3], $0x80, v4, vm0, $0xb8;
	[tilespmem:$0x18400] =	vst v63  }
0x4e: {  	s25 =	simm.s32 $0xA400  }
0x4f: {  	[tilespmem:s25], [sflag:$0x2] =	stream.indirect_vreg.gather [hbm4b:s2+s3], $0x80, v3, vm0, $0xb8;
	[tilespmem:$0x18400] =	vst v63  }
0x50: {  	s26 =	simm.s32 $0xAC00  }
0x51: {  	[tilespmem:s26], [sflag:$0x2] =	stream.indirect_vreg.gather [hbm4b:s5+s3], $0x80, v3, vm0, $0xb8;
	[tilespmem:$0x18400] =	vst v63  }
0x52: {  	s12 =	simm.s32 $0xB400  }
0x53: {  	[tilespmem:s12], [sflag:$0x2] =	stream.indirect_vreg.gather [hbm4b:s6+s3], $0x80, v3, vm0, $0xb8;
	[tilespmem:$0x18400] =	vst v63  }
0x54: {  	s14 =	simm.s32 $0xBC00  }
0x55: {  	[tilespmem:s14], [sflag:$0x2] =	stream.indirect_vreg.gather [hbm4b:s7+s3], $0x80, v3, vm0, $0xb8;
	[tilespmem:$0x18400] =	vst v63  }
0x56: {  	v3 =	vld [tilespmem:$0x30];
	_ =	sdelay $0x4  }
0x57: {  	v4 =	vshll.u32 v3, $0x3  }
0x58: {  	v3 =	vand.u32 $0x7, v3;
	v4 =	vand.u32 $0xFFFFFFC0, v4  }
0x59: {  	v3 =	vor.u32 v3, v4  }
0x5a: {  	v4 =	vperm.xlane v3, v0;
	_ =	sdelay $0x1  }
0x5b: {  	v4 =	vadd.s32 v1, v4;
	_ =	sdelay $0x3  }
0x5c: {  	s17 =	simm.s32 $0xC400  }
0x5d: {  	[tilespmem:s17], [sflag:$0x2] =	stream.indirect_vreg.gather [hbm4b:s2+s3], $0x80, v4, vm0, $0xb8;
	[tilespmem:$0x18400] =	vst v63  }
0x5e: {  	s18 =	simm.s32 $0xCC00;
	v3 =	vperm.xlane v3, v2  }
0x5f: {  	[tilespmem:s18], [sflag:$0x2] =	stream.indirect_vreg.gather [hbm4b:s5+s3], $0x80, v4, vm0, $0xb8;
	[tilespmem:$0x18400] =	vst v63  }
0x60: {  	s19 =	simm.s32 $0xD400;
	v3 =	vadd.s32 v1, v3  }
0x61: {  	[tilespmem:s19], [sflag:$0x2] =	stream.indirect_vreg.gather [hbm4b:s6+s3], $0x80, v4, vm0, $0xb8;
	[tilespmem:$0x18400] =	vst v63  }
0x62: {  	s20 =	simm.s32 $0xDC00  }
0x63: {  	[tilespmem:s20], [sflag:$0x2] =	stream.indirect_vreg.gather [hbm4b:s7+s3], $0x80, v4, vm0, $0xb8;
	[tilespmem:$0x18400] =	vst v63  }
0x64: {  	s22 =	simm.s32 $0xE400  }
0x65: {  	[tilespmem:s22], [sflag:$0x2] =	stream.indirect_vreg.gather [hbm4b:s2+s3], $0x80, v3, vm0, $0xb8;
	[tilespmem:$0x18400] =	vst v63  }
0x66: {  	s23 =	simm.s32 $0xEC00  }
0x67: {  	[tilespmem:s23], [sflag:$0x2] =	stream.indirect_vreg.gather [hbm4b:s5+s3], $0x80, v3, vm0, $0xb8;
	[tilespmem:$0x18400] =	vst v63  }
0x68: {  	s24 =	simm.s32 $0xF400  }
0x69: {  	[tilespmem:s24], [sflag:$0x2] =	stream.indirect_vreg.gather [hbm4b:s6+s3], $0x80, v3, vm0, $0xb8;
	[tilespmem:$0x18400] =	vst v63  }
0x6a: {  	s25 =	simm.s32 $0xFC00  }
0x6b: {  	[tilespmem:s25], [sflag:$0x2] =	stream.indirect_vreg.gather [hbm4b:s7+s3], $0x80, v3, vm0, $0xb8;
	[tilespmem:$0x18400] =	vst v63  }
0x6c: {  	_ =	swait.ge [sflag:s29], $0x8000  }
0x6d: {  	[sflag:s29] =	ssyncset.done $0x0  }
0x6e: {  	[sflag:s29] =	ssyncadd.s32 $0xFFFF8000  }
0x6f: {  	[hbm4b:s8+s3] =	stream.linear.scatter [tilespmem:s4], [sflag:$0x4], $0x8000, $0x38;
	[tilespmem:$0x18400] =	vst v63  }
0x70: {  	v3 =	vld [tilespmem:$0x40];
	_ =	sdelay $0x4  }
0x71: {  	v4 =	vshll.u32 v3, $0x3  }
0x72: {  	v3 =	vand.u32 $0x7, v3;
	v4 =	vand.u32 $0xFFFFFFC0, v4  }
0x73: {  	v3 =	vor.u32 v3, v4  }
0x74: {  	v4 =	vperm.xlane v3, v0;
	_ =	sdelay $0x1  }
0x75: {  	v4 =	vadd.s32 v1, v4;
	_ =	sdelay $0x3  }
0x76: {  	s26 =	simm.s32 $0x10400  }
0x77: {  	[tilespmem:s26], [sflag:$0x3] =	stream.indirect_vreg.gather [hbm4b:s2+s3], $0x80, v4, vm0, $0xb8;
	[tilespmem:$0x18400] =	vst v63  }
0x78: {  	s9 =	simm.s32 $0x10C00;
	v3 =	vperm.xlane v3, v2  }
0x79: {  	[tilespmem:s9], [sflag:$0x3] =	stream.indirect_vreg.gather [hbm4b:s5+s3], $0x80, v4, vm0, $0xb8;
	[tilespmem:$0x18400] =	vst v63  }
0x7a: {  	s12 =	simm.s32 $0x11400;
	v3 =	vadd.s32 v1, v3  }
0x7b: {  	[tilespmem:s12], [sflag:$0x3] =	stream.indirect_vreg.gather [hbm4b:s6+s3], $0x80, v4, vm0, $0xb8;
	[tilespmem:$0x18400] =	vst v63  }
0x7c: {  	s14 =	simm.s32 $0x11C00  }
0x7d: {  	[tilespmem:s14], [sflag:$0x3] =	stream.indirect_vreg.gather [hbm4b:s7+s3], $0x80, v4, vm0, $0xb8;
	[tilespmem:$0x18400] =	vst v63  }
0x7e: {  	s17 =	simm.s32 $0x12400  }
0x7f: {  	[tilespmem:s17], [sflag:$0x3] =	stream.indirect_vreg.gather [hbm4b:s2+s3], $0x80, v3, vm0, $0xb8;
	[tilespmem:$0x18400] =	vst v63  }
0x80: {  	s18 =	simm.s32 $0x12C00  }
0x81: {  	[tilespmem:s18], [sflag:$0x3] =	stream.indirect_vreg.gather [hbm4b:s5+s3], $0x80, v3, vm0, $0xb8;
	[tilespmem:$0x18400] =	vst v63  }
0x82: {  	s19 =	simm.s32 $0x13400  }
0x83: {  	[tilespmem:s19], [sflag:$0x3] =	stream.indirect_vreg.gather [hbm4b:s6+s3], $0x80, v3, vm0, $0xb8;
	[tilespmem:$0x18400] =	vst v63  }
0x84: {  	s20 =	simm.s32 $0x13C00  }
0x85: {  	[tilespmem:s20], [sflag:$0x3] =	stream.indirect_vreg.gather [hbm4b:s7+s3], $0x80, v3, vm0, $0xb8;
	[tilespmem:$0x18400] =	vst v63  }
0x86: {  	v3 =	vld [tilespmem:$0x50];
	_ =	sdelay $0x4  }
0x87: {  	v4 =	vshll.u32 v3, $0x3  }
0x88: {  	v3 =	vand.u32 $0x7, v3;
	v4 =	vand.u32 $0xFFFFFFC0, v4  }
0x89: {  	v3 =	vor.u32 v3, v4  }
0x8a: {  	v4 =	vperm.xlane v3, v0;
	_ =	sdelay $0x1  }
0x8b: {  	v4 =	vadd.s32 v1, v4;
	_ =	sdelay $0x3  }
0x8c: {  	s22 =	simm.s32 $0x14400  }
0x8d: {  	[tilespmem:s22], [sflag:$0x3] =	stream.indirect_vreg.gather [hbm4b:s2+s3], $0x80, v4, vm0, $0xb8;
	[tilespmem:$0x18400] =	vst v63  }
0x8e: {  	s23 =	simm.s32 $0x14C00;
	v3 =	vperm.xlane v3, v2  }
0x8f: {  	[tilespmem:s23], [sflag:$0x3] =	stream.indirect_vreg.gather [hbm4b:s5+s3], $0x80, v4, vm0, $0xb8;
	[tilespmem:$0x18400] =	vst v63  }
0x90: {  	s24 =	simm.s32 $0x15400;
	v3 =	vadd.s32 v1, v3  }
0x91: {  	[tilespmem:s24], [sflag:$0x3] =	stream.indirect_vreg.gather [hbm4b:s6+s3], $0x80, v4, vm0, $0xb8;
	[tilespmem:$0x18400] =	vst v63  }
0x92: {  	s25 =	simm.s32 $0x15C00  }
0x93: {  	[tilespmem:s25], [sflag:$0x3] =	stream.indirect_vreg.gather [hbm4b:s7+s3], $0x80, v4, vm0, $0xb8;
	[tilespmem:$0x18400] =	vst v63  }
0x94: {  	s26 =	simm.s32 $0x16400  }
0x95: {  	[tilespmem:s26], [sflag:$0x3] =	stream.indirect_vreg.gather [hbm4b:s2+s3], $0x80, v3, vm0, $0xb8;
	[tilespmem:$0x18400] =	vst v63  }
0x96: {  	s9 =	simm.s32 $0x16C00;
	s14 =	simm.s32 $0x3  }
0x97: {  	[tilespmem:s9], [sflag:$0x3] =	stream.indirect_vreg.gather [hbm4b:s5+s3], $0x80, v3, vm0, $0xb8;
	[tilespmem:$0x18400] =	vst v63  }
0x98: {  	s12 =	simm.s32 $0x17400;
	s4 =	smul.u32 $0xAB, s14  }
0x99: {  	[tilespmem:s12], [sflag:$0x3] =	stream.indirect_vreg.gather [hbm4b:s6+s3], $0x80, v3, vm0, $0xb8;
	[tilespmem:$0x18400] =	vst v63  }
0x9a: {  	s12 =	sshrl.u32 s4, $0x9  }
0x9b: {  	s17 =	simm.s32 $0x17C00;
	s12 =	sand.u32 $0x7F, s12  }
0x9c: {  	[tilespmem:s17], [sflag:$0x3] =	stream.indirect_vreg.gather [hbm4b:s7+s3], $0x80, v3, vm0, $0xb8;
	[tilespmem:$0x18400] =	vst v63  }
0x9d: {  	s12 =	smul.u32 $0x3, s12  }
0x9e: {  	_ =	swait.ge [sflag:s30], $0x8000  }
0x9f: {  	[sflag:s30] =	ssyncset.done $0x0;
	s12 =	ssub.s32 $0x3, s12  }
0xa0: {  	s18 =	rddreg [dreg:$0x5];
	[sflag:s30] =	ssyncadd.s32 $0xFFFF8000;
	s12 =	sand.u32 $0xFF, s12  }
0xa1: {  	[hbm4b:s18+s3] =	stream.linear.scatter [tilespmem:s31], [sflag:$0x5], $0x8000, $0x38;
	[tilespmem:$0x18400] =	vst v63  }
0xa2: {  	s17 =	sor.u32 $0x4, s12  }
0xa3: {  	_ =	swait.ge [sflag:s17], $0x8000  }
0xa4: {  	[sflag:s17] =	ssyncset.done $0x0  }
0xa5: {  	s18 =	simm.s32 $0x70;
	[sflag:s17] =	ssyncadd.s32 $0xFFFF8000  }
0xa6: {  	v3 =	vld [tilespmem:s18+$0xFFFFFFF0];
	_ =	sdelay $0x4  }
0xa7: {  	v4 =	vshll.u32 v3, $0x3  }
0xa8: {  	v3 =	vand.u32 $0x7, v3;
	v4 =	vand.u32 $0xFFFFFFC0, v4  }
0xa9: {  	v3 =	vor.u32 v3, v4  }
0xaa: {  	v4 =	vperm.xlane v3, v0;
	_ =	sdelay $0x1  }
0xab: {  	v4 =	vadd.s32 v1, v4;
	_ =	sdelay $0x2  }
0xac: {  	s20 =	sshll.u32 s12, $0xF  }
0xad: {  	s22 =	sadd.s32 $0x1, s12;
	s19 =	sor.u32 $0x400, s20  }
0xae: {  	[tilespmem:s19], [sflag:s22] =	stream.indirect_vreg.gather [hbm4b:s2+s3], $0x80, v4, vm0, $0xb8;
	[tilespmem:$0x18400] =	vst v63  }
0xaf: {  	s23 =	sor.u32 $0xC00, s20;
	v3 =	vperm.xlane v3, v2  }
0xb0: {  	[tilespmem:s23], [sflag:s22] =	stream.indirect_vreg.gather [hbm4b:s5+s3], $0x80, v4, vm0, $0xb8;
	[tilespmem:$0x18400] =	vst v63  }
0xb1: {  	s24 =	sor.u32 $0x1400, s20;
	v3 =	vadd.s32 v1, v3  }
0xb2: {  	[tilespmem:s24], [sflag:s22] =	stream.indirect_vreg.gather [hbm4b:s6+s3], $0x80, v4, vm0, $0xb8;
	[tilespmem:$0x18400] =	vst v63  }
0xb3: {  	s25 =	sor.u32 $0x1C00, s20  }
0xb4: {  	[tilespmem:s25], [sflag:s22] =	stream.indirect_vreg.gather [hbm4b:s7+s3], $0x80, v4, vm0, $0xb8;
	[tilespmem:$0x18400] =	vst v63  }
0xb5: {  	s26 =	sor.u32 $0x2400, s20  }
0xb6: {  	[tilespmem:s26], [sflag:s22] =	stream.indirect_vreg.gather [hbm4b:s2+s3], $0x80, v3, vm0, $0xb8;
	[tilespmem:$0x18400] =	vst v63  }
0xb7: {  	s9 =	sor.u32 $0x2C00, s20  }
0xb8: {  	[tilespmem:s9], [sflag:s22] =	stream.indirect_vreg.gather [hbm4b:s5+s3], $0x80, v3, vm0, $0xb8;
	[tilespmem:$0x18400] =	vst v63  }
0xb9: {  	s14 =	sor.u32 $0x3400, s20  }
0xba: {  	[tilespmem:s14], [sflag:s22] =	stream.indirect_vreg.gather [hbm4b:s6+s3], $0x80, v3, vm0, $0xb8;
	[tilespmem:$0x18400] =	vst v63  }
0xbb: {  	s17 =	sor.u32 $0x3C00, s20  }
0xbc: {  	[tilespmem:s17], [sflag:s22] =	stream.indirect_vreg.gather [hbm4b:s7+s3], $0x80, v3, vm0, $0xb8;
	[tilespmem:$0x18400] =	vst v63  }
0xbd: {  	v3 =	vld [tilespmem:s18+$0x0];
	_ =	sdelay $0x4  }
0xbe: {  	v4 =	vshll.u32 v3, $0x3  }
0xbf: {  	v3 =	vand.u32 $0x7, v3;
	v4 =	vand.u32 $0xFFFFFFC0, v4  }
0xc0: {  	v3 =	vor.u32 v3, v4  }
0xc1: {  	v4 =	vperm.xlane v3, v0;
	_ =	sdelay $0x1  }
0xc2: {  	v4 =	vadd.s32 v1, v4;
	_ =	sdelay $0x1  }
0xc3: {  	s4 =	sadd.s32 $0xFFFFFF55, s4  }
0xc4: {  	s4 =	sshrl.u32 s4, $0x9  }
0xc5: {  	s4 =	sand.u32 $0x7F, s4;
	s19 =	sor.u32 $0x4400, s20  }
0xc6: {  	[tilespmem:s19], [sflag:s22] =	stream.indirect_vreg.gather [hbm4b:s2+s3], $0x80, v4, vm0, $0xb8;
	[tilespmem:$0x18400] =	vst v63  }
0xc7: {  	s4 =	smul.u32 $0x3, s4;
	s23 =	sor.u32 $0x4C00, s20;
	v3 =	vperm.xlane v3, v2  }
0xc8: {  	[tilespmem:s23], [sflag:s22] =	stream.indirect_vreg.gather [hbm4b:s5+s3], $0x80, v4, vm0, $0xb8;
	[tilespmem:$0x18400] =	vst v63  }
0xc9: {  	s4 =	sxor.u32 $0xFFFFFFFF, s4;
	s24 =	sor.u32 $0x5400, s20;
	v3 =	vadd.s32 v1, v3  }
0xca: {  	[tilespmem:s24], [sflag:s22] =	stream.indirect_vreg.gather [hbm4b:s6+s3], $0x80, v4, vm0, $0xb8;
	[tilespmem:$0x18400] =	vst v63  }
0xcb: {  	s4 =	sadd.s32 $0x3, s4;
	s25 =	sor.u32 $0x5C00, s20  }
0xcc: {  	[tilespmem:s25], [sflag:s22] =	stream.indirect_vreg.gather [hbm4b:s7+s3], $0x80, v4, vm0, $0xb8;
	[tilespmem:$0x18400] =	vst v63  }
0xcd: {  	s12 =	smov.u32 s21;
	s26 =	sor.u32 $0x6400, s20;
	s17 =	sadd.s32 $0x1000, s21  }
0xce: {  	[tilespmem:s26], [sflag:s22] =	stream.indirect_vreg.gather [hbm4b:s2+s3], $0x80, v3, vm0, $0xb8;
	[tilespmem:$0x18400] =	vst v63  }
0xcf: {  	s18 =	simm.s32 $0x4;
	s19 =	simm.s32 $0x90;
	s26 =	sand.u32 $0xFF, s4  }
0xd0: {  	s23 =	simm.s32 $0x5;
	s25 =	sor.u32 $0x6C00, s20;
	s28 =	sshll.u32 s26, $0xF  }
.LBB2_2:
0xd1: {  	s14 =	smul.u32 $0xAB, s18  }
0xd2: {  	s9 =	sor.u32 $0x7C00, s20;
	s24 =	smov.u32 s23;
	s4 =	sadd.s32 $0x1, s23  }
0xd3: {  	[tilespmem:s25], [sflag:s22] =	stream.indirect_vreg.gather [hbm4b:s5+s3], $0x80, v3, vm0, $0xb8;
	[tilespmem:$0x18400] =	vst v63  }
0xd4: {  	s20 =	sor.u32 $0x7400, s20;
	s25 =	sadd.s32 $0xFFFFFF55, s14;
	s14 =	sshrl.u32 s14, $0x9  }
0xd5: {  	[tilespmem:s20], [sflag:s22] =	stream.indirect_vreg.gather [hbm4b:s6+s3], $0x80, v3, vm0, $0xb8;
	[tilespmem:$0x18400] =	vst v63  }
0xd6: {  	s20 =	sshrl.u32 s25, $0x9;
	s14 =	sand.u32 $0x7F, s14;
	s25 =	sadd.s32 $0x1, s26  }
0xd7: {  	p0 =	sne.s32 s23, $0x1F;
	s23 =	sand.u32 $0x7F, s20;
	s14 =	smul.u32 $0x3, s14  }
0xd8: {  	[tilespmem:s9], [sflag:s22] =	stream.indirect_vreg.gather [hbm4b:s7+s3], $0x80, v3, vm0, $0xb8;
	[tilespmem:$0x18400] =	vst v63  }
0xd9: {  	s9 =	ssub.s32 s18, s14;
	s14 =	sor.u32 $0x400, s28;
	_ =	swait.ge [sflag:s25], $0x8000  }
0xda: {  	s22 =	sor.u32 $0x4, s26;
	s9 =	sand.u32 $0xFF, s9;
	[sflag:s25] =	ssyncset.done $0x0  }
0xdb: {  	s28 =	sor.u32 $0x4, s9;
	s20 =	sshll.u32 s9, $0xF;
	[sflag:s25] =	ssyncadd.s32 $0xFFFF8000  }
0xdc: {  	[hbm4b:s12+s3] =	stream.linear.scatter [tilespmem:s14], [sflag:s22], $0x8000, $0x38;
	[tilespmem:$0x18400] =	vst v63  }
0xdd: {  	s25 =	sor.u32 $0x6C00, s20;
	s14 =	smul.u32 $0x3, s23;
	_ =	swait.ge [sflag:s28], $0x8000  }
0xde: {  	s12 =	smov.u32 s17;
	[sflag:s28] =	ssyncset.done $0x0  }
0xdf: {  	s26 =	sxor.u32 $0xFFFFFFFF, s14;
	[sflag:s28] =	ssyncadd.s32 $0xFFFF8000  }
0xe0: {  	v3 =	vld [tilespmem:s19+$0xFFFFFFF0];
	_ =	sdelay $0x4  }
0xe1: {  	v4 =	vand.u32 $0x7, v3;
	v3 =	vshll.u32 v3, $0x3  }
0xe2: {  	v3 =	vand.u32 $0xFFFFFFC0, v3  }
0xe3: {  	v3 =	vor.u32 v4, v3  }
0xe4: {  	v4 =	vperm.xlane v3, v0;
	v3 =	vperm.xlane v3, v2;
	_ =	sdelay $0x1  }
0xe5: {  	v4 =	vadd.s32 v1, v4;
	_ =	sdelay $0x3  }
0xe6: {  	s22 =	sadd.s32 $0x1, s9;
	s14 =	sor.u32 $0x400, s20  }
0xe7: {  	[tilespmem:s14], [sflag:s22] =	stream.indirect_vreg.gather [hbm4b:s2+s3], $0x80, v4, vm0, $0xb8;
	[tilespmem:$0x18400] =	vst v63  }
0xe8: {  	s9 =	sor.u32 $0xC00, s20  }
0xe9: {  	[tilespmem:s9], [sflag:s22] =	stream.indirect_vreg.gather [hbm4b:s5+s3], $0x80, v4, vm0, $0xb8;
	[tilespmem:$0x18400] =	vst v63  }
0xea: {  	v3 =	vadd.s32 v1, v3;
	s9 =	sor.u32 $0x1400, s20  }
0xeb: {  	[tilespmem:s9], [sflag:s22] =	stream.indirect_vreg.gather [hbm4b:s6+s3], $0x80, v4, vm0, $0xb8;
	[tilespmem:$0x18400] =	vst v63  }
0xec: {  	s9 =	sor.u32 $0x1C00, s20  }
0xed: {  	[tilespmem:s9], [sflag:s22] =	stream.indirect_vreg.gather [hbm4b:s7+s3], $0x80, v4, vm0, $0xb8;
	[tilespmem:$0x18400] =	vst v63  }
0xee: {  	s9 =	sor.u32 $0x2400, s20  }
0xef: {  	[tilespmem:s9], [sflag:s22] =	stream.indirect_vreg.gather [hbm4b:s2+s3], $0x80, v3, vm0, $0xb8;
	[tilespmem:$0x18400] =	vst v63  }
0xf0: {  	s9 =	sor.u32 $0x2C00, s20  }
0xf1: {  	[tilespmem:s9], [sflag:s22] =	stream.indirect_vreg.gather [hbm4b:s5+s3], $0x80, v3, vm0, $0xb8;
	[tilespmem:$0x18400] =	vst v63  }
0xf2: {  	s9 =	sor.u32 $0x3400, s20  }
0xf3: {  	[tilespmem:s9], [sflag:s22] =	stream.indirect_vreg.gather [hbm4b:s6+s3], $0x80, v3, vm0, $0xb8;
	[tilespmem:$0x18400] =	vst v63  }
0xf4: {  	s9 =	sor.u32 $0x3C00, s20  }
0xf5: {  	[tilespmem:s9], [sflag:s22] =	stream.indirect_vreg.gather [hbm4b:s7+s3], $0x80, v3, vm0, $0xb8;
	[tilespmem:$0x18400] =	vst v63  }
0xf6: {  	v3 =	vld [tilespmem:s19+$0x0];
	_ =	sdelay $0x4  }
0xf7: {  	v4 =	vand.u32 $0x7, v3;
	v3 =	vshll.u32 v3, $0x3  }
0xf8: {  	v3 =	vand.u32 $0xFFFFFFC0, v3  }
0xf9: {  	v3 =	vor.u32 v4, v3  }
0xfa: {  	v4 =	vperm.xlane v3, v0;
	v3 =	vperm.xlane v3, v2;
	_ =	sdelay $0x1  }
0xfb: {  	v4 =	vadd.s32 v1, v4;
	_ =	sdelay $0x3  }
0xfc: {  	s9 =	sor.u32 $0x4400, s20  }
0xfd: {  	[tilespmem:s9], [sflag:s22] =	stream.indirect_vreg.gather [hbm4b:s2+s3], $0x80, v4, vm0, $0xb8;
	[tilespmem:$0x18400] =	vst v63  }
0xfe: {  	s9 =	sor.u32 $0x4C00, s20  }
0xff: {  	[tilespmem:s9], [sflag:s22] =	stream.indirect_vreg.gather [hbm4b:s5+s3], $0x80, v4, vm0, $0xb8;
	[tilespmem:$0x18400] =	vst v63  }
0x100: {  	s14 =	sor.u32 $0x5400, s20;
	v3 =	vadd.s32 v1, v3;
	s9 =	sadd.s32 s18, s26;
	s18 =	smov.u32 s24  }
0x101: {  	[tilespmem:s14], [sflag:s22] =	stream.indirect_vreg.gather [hbm4b:s6+s3], $0x80, v4, vm0, $0xb8;
	[tilespmem:$0x18400] =	vst v63  }
.Ltmp0:
0x102: {  	s17 =	sadd.s32 $0x1000, s17;
	(pc) =	sbr.rel @p0 .LBB2_2-.Ltmp0, $4  }
0x103: {  	s19 =	sadd.s32 $0x20, s19;
	s26 =	sand.u32 $0xFF, s9;
	s9 =	sor.u32 $0x5C00, s20  }
0x104: {  	[tilespmem:s9], [sflag:s22] =	stream.indirect_vreg.gather [hbm4b:s7+s3], $0x80, v4, vm0, $0xb8;
	[tilespmem:$0x18400] =	vst v63  }
0x105: {  	s23 =	smov.u32 s4;
	s28 =	sshll.u32 s26, $0xF;
	s9 =	sor.u32 $0x6400, s20  }
0x106: {  	[tilespmem:s9], [sflag:s22] =	stream.indirect_vreg.gather [hbm4b:s2+s3], $0x80, v3, vm0, $0xb8;
	[tilespmem:$0x18400] =	vst v63  }
0x107: {  	_ =	sdelay $0x2  }
0x108: {  	s4 =	smul.u32 $0xAB, s18  }
0x109: {  	[tilespmem:s25], [sflag:s22] =	stream.indirect_vreg.gather [hbm4b:s5+s3], $0x80, v3, vm0, $0xb8;
	[tilespmem:$0x18400] =	vst v63  }
0x10a: {  	s14 =	sor.u32 $0x7400, s20;
	s9 =	sshrl.u32 s4, $0x9  }
0x10b: {  	[tilespmem:s14], [sflag:s22] =	stream.indirect_vreg.gather [hbm4b:s6+s3], $0x80, v3, vm0, $0xb8;
	[tilespmem:$0x18400] =	vst v63  }
0x10c: {  	s9 =	sand.u32 $0x7F, s9  }
0x10d: {  	s23 =	sor.u32 $0x7C00, s20;
	s20 =	sadd.s32 $0x1, s26;
	s9 =	smul.u32 $0x3, s9  }
0x10e: {  	[tilespmem:s23], [sflag:s22] =	stream.indirect_vreg.gather [hbm4b:s7+s3], $0x80, v3, vm0, $0xb8;
	[tilespmem:$0x18400] =	vst v63  }
0x10f: {  	_ =	swait.ge [sflag:s20], $0x8000;
	s9 =	ssub.s32 s18, s9  }
0x110: {  	s24 =	sor.u32 $0x400, s28;
	[sflag:s20] =	ssyncset.done $0x0;
	s9 =	sand.u32 $0xFF, s9  }
0x111: {  	s25 =	sor.u32 $0x4, s26;
	[sflag:s20] =	ssyncadd.s32 $0xFFFF8000;
	s23 =	sor.u32 $0x4, s9  }
0x112: {  	[hbm4b:s12+s3] =	stream.linear.scatter [tilespmem:s24], [sflag:s25], $0x8000, $0x38;
	[tilespmem:$0x18400] =	vst v63  }
0x113: {  	_ =	swait.ge [sflag:s23], $0x8000  }
0x114: {  	[sflag:s23] =	ssyncset.done $0x0  }
0x115: {  	[sflag:s23] =	ssyncadd.s32 $0xFFFF8000  }
0x116: {  	v3 =	vld [tilespmem:s19+$0xFFFFFFF0];
	_ =	sdelay $0x4  }
0x117: {  	v4 =	vshll.u32 v3, $0x3  }
0x118: {  	v3 =	vand.u32 $0x7, v3;
	v4 =	vand.u32 $0xFFFFFFC0, v4  }
0x119: {  	v3 =	vor.u32 v3, v4  }
0x11a: {  	v4 =	vperm.xlane v3, v0;
	_ =	sdelay $0x1  }
0x11b: {  	v4 =	vadd.s32 v1, v4;
	_ =	sdelay $0x2  }
0x11c: {  	s12 =	sshll.u32 s9, $0xF  }
0x11d: {  	s9 =	sadd.s32 $0x1, s9;
	s26 =	sor.u32 $0x400, s12  }
0x11e: {  	[tilespmem:s26], [sflag:s9] =	stream.indirect_vreg.gather [hbm4b:s2+s3], $0x80, v4, vm0, $0xb8;
	[tilespmem:$0x18400] =	vst v63  }
0x11f: {  	s28 =	sor.u32 $0xC00, s12;
	v3 =	vperm.xlane v3, v2  }
0x120: {  	[tilespmem:s28], [sflag:s9] =	stream.indirect_vreg.gather [hbm4b:s5+s3], $0x80, v4, vm0, $0xb8;
	[tilespmem:$0x18400] =	vst v63  }
0x121: {  	s20 =	sor.u32 $0x1400, s12;
	v3 =	vadd.s32 v1, v3  }
0x122: {  	[tilespmem:s20], [sflag:s9] =	stream.indirect_vreg.gather [hbm4b:s6+s3], $0x80, v4, vm0, $0xb8;
	[tilespmem:$0x18400] =	vst v63  }
0x123: {  	s22 =	sor.u32 $0x1C00, s12  }
0x124: {  	[tilespmem:s22], [sflag:s9] =	stream.indirect_vreg.gather [hbm4b:s7+s3], $0x80, v4, vm0, $0xb8;
	[tilespmem:$0x18400] =	vst v63  }
0x125: {  	s23 =	sor.u32 $0x2400, s12  }
0x126: {  	[tilespmem:s23], [sflag:s9] =	stream.indirect_vreg.gather [hbm4b:s2+s3], $0x80, v3, vm0, $0xb8;
	[tilespmem:$0x18400] =	vst v63  }
0x127: {  	s24 =	sor.u32 $0x2C00, s12  }
0x128: {  	[tilespmem:s24], [sflag:s9] =	stream.indirect_vreg.gather [hbm4b:s5+s3], $0x80, v3, vm0, $0xb8;
	[tilespmem:$0x18400] =	vst v63  }
0x129: {  	s25 =	sor.u32 $0x3400, s12  }
0x12a: {  	[tilespmem:s25], [sflag:s9] =	stream.indirect_vreg.gather [hbm4b:s6+s3], $0x80, v3, vm0, $0xb8;
	[tilespmem:$0x18400] =	vst v63  }
0x12b: {  	s26 =	sor.u32 $0x3C00, s12  }
0x12c: {  	[tilespmem:s26], [sflag:s9] =	stream.indirect_vreg.gather [hbm4b:s7+s3], $0x80, v3, vm0, $0xb8;
	[tilespmem:$0x18400] =	vst v63  }
0x12d: {  	v3 =	vld [tilespmem:s19+$0x0];
	_ =	sdelay $0x4  }
0x12e: {  	v63 =	vshll.u32 v3, $0x3  }
0x12f: {  	v3 =	vand.u32 $0x7, v3;
	v4 =	vand.u32 $0xFFFFFFC0, v63  }
0x130: {  	v3 =	vor.u32 v3, v4  }
0x131: {  	v4 =	vperm.xlane v3, v0;
	_ =	sdelay $0x1  }
0x132: {  	v4 =	vadd.s32 v1, v4;
	_ =	sdelay $0x3  }
0x133: {  	s4 =	sadd.s32 $0xFFFFFF55, s4;
	s28 =	sor.u32 $0x4400, s12  }
0x134: {  	[tilespmem:s28], [sflag:s9] =	stream.indirect_vreg.gather [hbm4b:s2+s3], $0x80, v4, vm0, $0xb8;
	[tilespmem:$0x18400] =	vst v63  }
0x135: {  	s4 =	sshrl.u32 s4, $0x9;
	s19 =	sor.u32 $0x4C00, s12;
	v3 =	vperm.xlane v3, v2  }
0x136: {  	[tilespmem:s19], [sflag:s9] =	stream.indirect_vreg.gather [hbm4b:s5+s3], $0x80, v4, vm0, $0xb8;
	[tilespmem:$0x18400] =	vst v63  }
0x137: {  	s4 =	sand.u32 $0x7F, s4;
	s20 =	sor.u32 $0x5400, s12;
	v3 =	vadd.s32 v1, v3  }
0x138: {  	[tilespmem:s20], [sflag:s9] =	stream.indirect_vreg.gather [hbm4b:s6+s3], $0x80, v4, vm0, $0xb8;
	[tilespmem:$0x18400] =	vst v63  }
0x139: {  	s4 =	smul.u32 $0x3, s4;
	s22 =	sor.u32 $0x5C00, s12  }
0x13a: {  	[tilespmem:s22], [sflag:s9] =	stream.indirect_vreg.gather [hbm4b:s7+s3], $0x80, v4, vm0, $0xb8;
	[tilespmem:$0x18400] =	vst v63  }
0x13b: {  	s4 =	sxor.u32 $0xFFFFFFFF, s4;
	s23 =	sor.u32 $0x6400, s12  }
0x13c: {  	[tilespmem:s23], [sflag:s9] =	stream.indirect_vreg.gather [hbm4b:s2+s3], $0x80, v3, vm0, $0xb8;
	[tilespmem:$0x18400] =	vst v63  }
0x13d: {  	s4 =	sadd.s32 s18, s4;
	s24 =	sor.u32 $0x6C00, s12  }
0x13e: {  	[tilespmem:s24], [sflag:s9] =	stream.indirect_vreg.gather [hbm4b:s5+s3], $0x80, v3, vm0, $0xb8;
	[tilespmem:$0x18400] =	vst v63  }
0x13f: {  	s4 =	sand.u32 $0xFF, s4;
	s25 =	sor.u32 $0x7400, s12  }
0x140: {  	[tilespmem:s25], [sflag:s9] =	stream.indirect_vreg.gather [hbm4b:s6+s3], $0x80, v3, vm0, $0xb8;
	[tilespmem:$0x18400] =	vst v63  }
0x141: {  	s26 =	sadd.s32 $0x1, s4;
	s12 =	sor.u32 $0x7C00, s12  }
0x142: {  	[tilespmem:s12], [sflag:s9] =	stream.indirect_vreg.gather [hbm4b:s7+s3], $0x80, v3, vm0, $0xb8;
	[tilespmem:$0x18400] =	vst v63  }
0x143: {  	_ =	swait.ge [sflag:s26], $0x8000  }
0x144: {  	s28 =	sshll.u32 s4, $0xF;
	[sflag:s26] =	ssyncset.done $0x0  }
0x145: {  	s4 =	sor.u32 $0x4, s4;
	s9 =	sor.u32 $0x400, s28;
	[sflag:s26] =	ssyncadd.s32 $0xFFFF8000  }
0x146: {  	[hbm4b:s17+s3] =	stream.linear.scatter [tilespmem:s9], [sflag:s4], $0x8000, $0x38;
	[tilespmem:$0x18400] =	vst v63  }
0x147: {  	_ =	swait.ge [sflag:s30], $0x8000  }
0x148: {  	[sflag:s30] =	ssyncset.done $0x0  }
0x149: {  	[sflag:s30] =	ssyncadd.s32 $0xFFFF8000  }
0x14a: {  	[hbm4b:s10+s3] =	stream.linear.scatter [tilespmem:s31], [sflag:$0x5], $0x8000, $0x38;
	[tilespmem:$0x18400] =	vst v63  }
0x14b: {  	_ =	swait.ge [sflag:s0], $0x8000  }
0x14c: {  	[sflag:s0] =	ssyncset.done $0x0  }
0x14d: {  	s16 =	sadd.s32 $0x1, s16;
	[sflag:s0] =	ssyncadd.s32 $0xFFFF8000  }
0x14e: {  	p0 =	sne.s32 s16, s11;
	_ =	swait.ge [sflag:s1], $0x8000  }
.Ltmp1:
0x14f: {  	[sflag:s1] =	ssyncset.done $0x0;
	(pc) =	sbr.rel @p0 .LBB2_1-.Ltmp1, $4  }
0x150: {  	[sflag:s1] =	ssyncadd.s32 $0xFFFF8000  }
0x151: {  	_ =	swait.ge [sflag:s15], $0x8000  }
0x152: {  	[sflag:s15] =	ssyncset.done $0x0  }
0x153: {  	[sflag:s15] =	ssyncadd.s32 $0xFFFF8000  }
0x154: {  	_ =	sfence.sel $0x180000  }
0x155: {  	[bflag:$0x0] =	sbarrier.arrive $0xFFFF  }
0x156: {  	_ =	strace $0x90000047  }
0x157: {  	s0 =	stileid.u32;
	[bflag:$0x2] =	sbarrier.arrive $0xFFFF  }
0x158: {  	p0 =	sne.s32 s0, $0x0;
	s0 =	rddreg [dreg:$0x3]  }
0x159: {  	s0 =	sadd.s32 @!p0 $0x100000, s0  }
0x15a: {  	[sflag:s0] =	ssyncadd.tile.s32 @!p0 $0x1;
	_ =	shalt  }
.Lfunc_end2:
_tile_overlayer_lowered:
.L_overlay_start_2:
0x15b: {  	(tag) =	ssettag $0x2  }
0x15c: {  	s0 =	rddreg [dreg:$0x0];
	s2 =	stileid.u32  }
0x15d: {  	s1 =	rddreg [dreg:$0x1];
	p0 =	sne.s32 s2, $0x0  }
0x15e: {  	s3 =	rddreg [dreg:$0x2];
	[bflag:$0x3] =	sbarrier.arrive $0xFFFF;
	s2 =	simm.s32 @!p0 $0x1C07  }
0x15f: {  	[timem:s3], [sflag:s2] =	dma.local @!p0 [hbm:s0], s1  }
0x160: {  	s0 =	simm.s32 @!p0 $0x7  }
0x161: {  	_ =	swait.ge @!p0 [sflag:s0], s1  }
0x162: {  	s1 =	ssub.s32 @!p0 $0x0, s1;
	[sflag:s0] =	ssyncset.done @!p0 $0x0  }
0x163: {  	[sflag:s0] =	ssyncadd.s32 @!p0 s1  }
0x164: {  	[bflag:$0x3] =	sbarrier.arrive $0xFFFF  }
0x165: {  	_ =	shalt  }

</sc_bundles>
